<compile_context>
chip_gen: v7x
topology: tpu7x:2x2x1
jax: 0.10.2.dev20260603
libtpu: 0.0.44.dev20260713+nightly
codegen_flags: <defaults>
</compile_context>

<pallas_src>
import functools

import jax
import jax.numpy as jnp
from jax import lax
from jax.experimental import pallas as pl
from jax.experimental.pallas import tpu as pltpu
from jax.experimental.pallas import tpu_sc as plsc

N = 10000
D = 128
F = 128
AUG = 144
NNZ = 160000
CHUNK = 128
NCHUNK = NNZ // CHUNK
NCHUNK_PAD = 1280
NW = 32
ROWS_PER_SUB = N // 16
NEG_SLOPE = 0.2


def _sc_body(table, sidx, didx, zer, out, acc, isrc, idst, rows, sem):
    c = lax.axis_index("c")
    s = lax.axis_index("s")
    wid = s * 2 + c

    pltpu.sync_copy(zer.at[pl.ds(s * ROWS_PER_SUB, ROWS_PER_SUB)],
                    acc.at[pl.ds(s * ROWS_PER_SUB, ROWS_PER_SUB)])
    plsc.subcore_barrier()

    start = 39 * wid + jnp.minimum(wid, 2)
    nt = jnp.where(wid < 2, 40, 39)

    pltpu.sync_copy(sidx.at[pl.ds(start, 40)], isrc)
    pltpu.sync_copy(didx.at[pl.ds(start, 40)], idst)

    def body(t, carry):
        pltpu.async_copy(table.at[isrc.at[t]], rows, sem).wait()
        pltpu.sync_copy(rows, acc.at[idst.at[t]], add=True)
        return carry

    lax.fori_loop(0, nt, body, 0)

    plsc.subcore_barrier()
    pltpu.sync_copy(acc.at[pl.ds(s * ROWS_PER_SUB, ROWS_PER_SUB)],
                    out.at[c, pl.ds(s * ROWS_PER_SUB, ROWS_PER_SUB)])


_sc_scatter = pl.kernel(
    _sc_body,
    mesh=plsc.VectorSubcoreMesh(core_axis_name="c", subcore_axis_name="s"),
    compiler_params=pltpu.CompilerParams(use_tc_tiling_on_sc=False),
    out_type=jax.ShapeDtypeStruct((2, N, AUG), jnp.float32),
    scratch_types=[
        pltpu.VMEM_SHARED((N, AUG), jnp.float32),
        pltpu.VMEM((40, CHUNK), jnp.int32),
        pltpu.VMEM((40, CHUNK), jnp.int32),
        pltpu.VMEM((CHUNK, AUG), jnp.float32),
        pltpu.SemaphoreType.DMA,
    ],
)


BM_BIG = 200


def _big_mm_body(h_ref, y_ref, o_ref):
    o_ref[...] = jnp.dot(h_ref[...], y_ref[...],
                         preferred_element_type=jnp.float32)


def _big_mm(H, Y):
    return pl.pallas_call(
        _big_mm_body,
        grid=(N // BM_BIG,),
        in_specs=[
            pl.BlockSpec((BM_BIG, N), lambda i: (i, 0)),
            pl.BlockSpec((N, F), lambda i: (0, 0)),
        ],
        out_specs=pl.BlockSpec((BM_BIG, F), lambda i: (i, 0)),
        out_shape=jax.ShapeDtypeStruct((N, F), jnp.float32),
    )(H, Y)


BM = 1000


def _prep1_body(x_ref, w1_ref, b1_ref, w2_ref, y_ref, t_ref):
    x = x_ref[...]
    y_ref[...] = jnp.dot(x, w1_ref[...], preferred_element_type=jnp.float32) \
        + b1_ref[...]
    x0 = jnp.dot(x, w2_ref[...], preferred_element_type=jnp.float32)
    t_ref[...] = jnp.concatenate(
        [x0, jnp.ones((BM, AUG - F), jnp.float32)], axis=1)


def _prep1(X, W1, b1, W2):
    return pl.pallas_call(
        _prep1_body,
        grid=(N // BM,),
        in_specs=[
            pl.BlockSpec((BM, D), lambda i: (i, 0)),
            pl.BlockSpec((D, F), lambda i: (0, 0)),
            pl.BlockSpec((1, F), lambda i: (0, 0)),
            pl.BlockSpec((D, F), lambda i: (0, 0)),
        ],
        out_specs=[
            pl.BlockSpec((BM, F), lambda i: (i, 0)),
            pl.BlockSpec((BM, AUG), lambda i: (i, 0)),
        ],
        out_shape=[
            jax.ShapeDtypeStruct((N, F), jnp.float32),
            jax.ShapeDtypeStruct((N, AUG), jnp.float32),
        ],
    )(X, W1, b1, W2)


def _edge_prep_body(c0_ref, c1_ref, att_ref, t_ref):
    a = c0_ref[...] + c1_ref[...]
    deg = jnp.maximum(a[:, F:F + 1], 1.0)
    xe = a[:, :F] / deg
    alpha = jnp.sum(xe * att_ref[...], axis=1, keepdims=True)
    alpha = jnp.where(alpha >= 0, alpha, NEG_SLOPE * alpha)
    s = jnp.exp(alpha)
    t_ref[...] = jnp.concatenate(
        [xe * s, jnp.broadcast_to(s, (BM, AUG - F))], axis=1)


def _edge_prep(A1, att):
    return pl.pallas_call(
        _edge_prep_body,
        grid=(N // BM,),
        in_specs=[
            pl.BlockSpec((BM, AUG), lambda i: (i, 0)),
            pl.BlockSpec((BM, AUG), lambda i: (i, 0)),
            pl.BlockSpec((1, F), lambda i: (0, 0)),
        ],
        out_specs=pl.BlockSpec((BM, AUG), lambda i: (i, 0)),
        out_shape=jax.ShapeDtypeStruct((N, AUG), jnp.float32),
    )(A1[0], A1[1], att)


def _pair_attn(za, zb, w1_ref, b1_ref, w2_ref):
    ta = jnp.tanh(jnp.dot(za, w1_ref[...], preferred_element_type=jnp.float32)
                  + b1_ref[...])
    tb = jnp.tanh(jnp.dot(zb, w1_ref[...], preferred_element_type=jnp.float32)
                  + b1_ref[...])
    wa = jnp.sum(ta * w2_ref[...], axis=1, keepdims=True)
    wb = jnp.sum(tb * w2_ref[...], axis=1, keepdims=True)
    m = jnp.maximum(wa, wb)
    ea = jnp.exp(wa - m)
    eb = jnp.exp(wb - m)
    inv = 1.0 / (ea + eb)
    return (ea * inv) * za + (eb * inv) * zb


def _attn_mid_body(h1_ref, c0_ref, c1_ref, aw1_ref, ab1_ref, aw2_ref,
                   w21_ref, b21_ref, w22_ref, y2_ref, t_ref):
    h1 = h1_ref[...]
    a = c0_ref[...] + c1_ref[...]
    h2 = a[:, :F] / (a[:, F:F + 1] + 1e-16)
    h3f = _pair_attn(h1, h2, aw1_ref, ab1_ref, aw2_ref)
    y2_ref[...] = jnp.dot(h3f, w21_ref[...],
                          preferred_element_type=jnp.float32) + b21_ref[...]
    x0b = jnp.dot(h1, w22_ref[...], preferred_element_type=jnp.float32)
    t_ref[...] = jnp.concatenate(
        [x0b, jnp.ones((BM, AUG - F), jnp.float32)], axis=1)


def _attn_mid(H1, A2, aW1, ab1, aW2r, W21, b21, W22):
    return pl.pallas_call(
        _attn_mid_body,
        grid=(N // BM,),
        in_specs=[
            pl.BlockSpec((BM, F), lambda i: (i, 0)),
            pl.BlockSpec((BM, AUG), lambda i: (i, 0)),
            pl.BlockSpec((BM, AUG), lambda i: (i, 0)),
            pl.BlockSpec((F, 16), lambda i: (0, 0)),
            pl.BlockSpec((1, 16), lambda i: (0, 0)),
            pl.BlockSpec((1, 16), lambda i: (0, 0)),
            pl.BlockSpec((F, F), lambda i: (0, 0)),
            pl.BlockSpec((1, F), lambda i: (0, 0)),
            pl.BlockSpec((F, F), lambda i: (0, 0)),
        ],
        out_specs=[
            pl.BlockSpec((BM, F), lambda i: (i, 0)),
            pl.BlockSpec((BM, AUG), lambda i: (i, 0)),
        ],
        out_shape=[
            jax.ShapeDtypeStruct((N, F), jnp.float32),
            jax.ShapeDtypeStruct((N, AUG), jnp.float32),
        ],
    )(H1, A2[0], A2[1], aW1, ab1, aW2r, W21, b21, W22)


def _attn_final_body(o1_ref, c0_ref, c1_ref, aw1_ref, ab1_ref, aw2_ref,
                     o2_ref, oa_ref):
    o1 = o1_ref[...]
    a = c0_ref[...] + c1_ref[...]
    o2 = a[:, :F] / (a[:, F:F + 1] + 1e-16)
    o2_ref[...] = o2
    oa_ref[...] = _pair_attn(o2, o1, aw1_ref, ab1_ref, aw2_ref)


def _attn_final(out1, A2, aW1, ab1, aW2r):
    return pl.pallas_call(
        _attn_final_body,
        grid=(N // BM,),
        in_specs=[
            pl.BlockSpec((BM, F), lambda i: (i, 0)),
            pl.BlockSpec((BM, AUG), lambda i: (i, 0)),
            pl.BlockSpec((BM, AUG), lambda i: (i, 0)),
            pl.BlockSpec((F, 16), lambda i: (0, 0)),
            pl.BlockSpec((1, 16), lambda i: (0, 0)),
            pl.BlockSpec((1, 16), lambda i: (0, 0)),
        ],
        out_specs=[
            pl.BlockSpec((BM, F), lambda i: (i, 0)),
            pl.BlockSpec((BM, F), lambda i: (i, 0)),
        ],
        out_shape=[
            jax.ShapeDtypeStruct((N, F), jnp.float32),
            jax.ShapeDtypeStruct((N, F), jnp.float32),
        ],
    )(out1, A2[0], A2[1], aW1, ab1, aW2r)


def kernel(X_gene, H_gene, vertex_spa, edges_spa, W1_1, b1_1, W1_2, att_e1,
           W2_1, b2_1, W2_2, att_e2, attW1, attb1, attW2, att1W1, att1b1,
           att1W2):
    pad = NCHUNK_PAD * CHUNK - NNZ
    v2d = jnp.pad(vertex_spa, (0, pad)).reshape(NCHUNK_PAD, CHUNK)
    e2d = jnp.pad(edges_spa, (0, pad)).reshape(NCHUNK_PAD, CHUNK)
    zer = jnp.zeros((N, AUG), jnp.float32)

    b1_1r = b1_1.reshape(1, F)
    b2_1r = b2_1.reshape(1, F)
    att1r = att_e1.reshape(1, F)
    att2r = att_e2.reshape(1, F)
    attb1r = attb1.reshape(1, 16)
    attW2r = attW2.reshape(1, 16)
    att1b1r = att1b1.reshape(1, 16)
    att1W2r = att1W2.reshape(1, 16)

    Y1, T1a = _prep1(X_gene, W1_1, b1_1r, W1_2)
    A1a = _sc_scatter(T1a, v2d, e2d, zer)
    H1 = _big_mm(H_gene, Y1)
    T2a = _edge_prep(A1a, att1r)
    A2a = _sc_scatter(T2a, e2d, v2d, zer)
    Y2, T1b = _attn_mid(H1, A2a, attW1, attb1r, attW2r, W2_1, b2_1r, W2_2)
    A1b = _sc_scatter(T1b, v2d, e2d, zer)
    out1 = _big_mm(H_gene, Y2)
    T2b = _edge_prep(A1b, att2r)
    A2b = _sc_scatter(T2b, e2d, v2d, zer)
    out2, out_atten = _attn_final(out1, A2b, att1W1, att1b1r, att1W2r)
    return out1, out2, out_atten

# --- scband reference (transcript-rebuilt; emitter-appended) ---
"""Pipeline reference for scband-hyper-st-sparse-24936580120711 (READ-ONLY COPY).

The authoritative reference and input builder live on the scoring server;
editing this copy changes nothing except your own understanding.
"""

import jax, jax.numpy as jnp
import numpy as np

N = 10000
D = 128
HID = 128
OUT = 128
NNZ = 160000
EH = 10000
HEADS = 1
NEG_SLOPE = 0.2


def _dense(k, shape, fan_in):
    return jax.random.normal(k, shape, dtype=jnp.float32) / np.sqrt(fan_in)


def setup_inputs(seed: int = 0):
    key = jax.random.key(seed)
    ks = jax.random.split(key, 20)
    inp = {}
    inp["X_gene"] = jax.random.normal(ks[0], (N, D), dtype=jnp.float32)
    inp["H_gene"] = jax.random.normal(ks[1], (N, N), dtype=jnp.float32) / np.sqrt(N)
    inp["vertex_spa"] = jax.random.randint(ks[2], (NNZ,), 0, N, dtype=jnp.int32)
    inp["edges_spa"] = jnp.sort(jax.random.randint(ks[3], (NNZ,), 0, EH, dtype=jnp.int32))
    inp["W1_1"] = _dense(ks[4], (D, HID), D)
    inp["b1_1"] = jnp.zeros((HID,), dtype=jnp.float32)
    inp["W1_2"] = _dense(ks[5], (D, HEADS * HID), D)
    inp["att_e1"] = _dense(ks[6], (1, HEADS, HID), HID)
    inp["W2_1"] = _dense(ks[7], (HID, OUT), HID)
    inp["b2_1"] = jnp.zeros((OUT,), dtype=jnp.float32)
    inp["W2_2"] = _dense(ks[8], (HID, HEADS * OUT), HID)
    inp["att_e2"] = _dense(ks[9], (1, HEADS, OUT), OUT)
    inp["attW1"] = _dense(ks[10], (OUT, 16), OUT)
    inp["attb1"] = jnp.zeros((16,), dtype=jnp.float32)
    inp["attW2"] = _dense(ks[11], (16, 1), 16)
    inp["att1W1"] = _dense(ks[12], (HID, 16), HID)
    inp["att1b1"] = jnp.zeros((16,), dtype=jnp.float32)
    inp["att1W2"] = _dense(ks[13], (16, 1), 16)
    return inp


def _hgnn_conv(x, G, W, b):
    x = x @ W + b
    return G @ x


def _scatter_softmax(alpha, idx, num):
    amax = jax.ops.segment_max(alpha, idx, num_segments=num)
    amax = jnp.where(jnp.isfinite(amax), amax, 0.0)
    ex = jnp.exp(alpha - amax[idx])
    denom = jax.ops.segment_sum(ex, idx, num_segments=num)
    return ex / (denom[idx] + 1e-16)


def _unigat_conv(X, vertex, edges, W, att_e):
    n = X.shape[0]
    X0 = X @ W
    Xh = X0.reshape(n, HEADS, -1)
    Xve = Xh[vertex]
    deg_e = jax.ops.segment_sum(jnp.ones((vertex.shape[0],), dtype=jnp.float32), edges, num_segments=EH)
    Xe = jax.ops.segment_sum(Xve, edges, num_segments=EH) / jnp.maximum(deg_e, 1.0)[:, None, None]
    alpha_e = (Xe * att_e).sum(-1)
    a_ev = alpha_e[edges]
    alpha = jnp.where(a_ev >= 0, a_ev, NEG_SLOPE * a_ev)
    alpha = _scatter_softmax(alpha, vertex, n)
    Xev = Xe[edges] * alpha[:, :, None]
    Xv = jax.ops.segment_sum(Xev, vertex, num_segments=n)
    return Xv.reshape(n, -1)


def _attention1(z, W1, b1, W2):
    w = jnp.tanh(z @ W1 + b1) @ W2
    beta = jax.nn.softmax(w, axis=1)
    return (beta * z).sum(1), beta


def reference(X_gene, H_gene, vertex_spa, edges_spa, W1_1, b1_1, W1_2, att_e1, W2_1, b2_1, W2_2, att_e2, attW1, attb1, attW2, att1W1, att1b1, att1W2):
    H1 = _hgnn_conv(X_gene, H_gene, W1_1, b1_1)
    H2 = _unigat_conv(X_gene, vertex_spa, edges_spa, W1_2, att_e1)
    H3 = jnp.stack([H1, H2], axis=1)
    H3f, att1 = _attention1(H3, attW1, attb1, attW2)
    out1 = _hgnn_conv(H3f, H_gene, W2_1, b2_1)
    out2 = _unigat_conv(H1, vertex_spa, edges_spa, W2_2, att_e2)
    out_s = jnp.stack([out2, out1], axis=1)
    out_atten, att = _attention1(out_s, att1W1, att1b1, att1W2)
    return (out1, out2, out_atten)

if __name__ == "__main__":
    import jax
    _d = setup_inputs()
    print(jax.jit(kernel)(*tuple(_d.values())))

</pallas_src>

<mosaic_0001>
#map = affine_map<(d0, d1) -> (0, 0)>
#map1 = affine_map<(d0, d1) -> (0, 0, 0)>
module attributes {stable_mosaic.version = 14 : i64} {
  func.func @_sc_body(%arg0: i32, %arg1: i32, %arg2: memref<10000x144xf32, #tpu.memory_space<hbm>>, %arg3: memref<1280x128xi32, #tpu.memory_space<hbm>>, %arg4: memref<1280x128xi32, #tpu.memory_space<hbm>>, %arg5: memref<10000x144xf32, #tpu.memory_space<hbm>>, %arg6: memref<2x10000x144xf32, #tpu.memory_space<hbm>>, %arg7: memref<10000x144xf32, #tpu.memory_space<vmem_shared>>, %arg8: memref<40x128xi32, #tpu.memory_space<vmem>>, %arg9: memref<40x128xi32, #tpu.memory_space<vmem>>, %arg10: memref<128x144xf32, #tpu.memory_space<vmem>>, %arg11: memref<!tpu.dma_semaphore, #tpu.memory_space<semaphore_mem>>) attributes {dimension_semantics = [#tpu.dimension_semantics<core_parallel>, #tpu.dimension_semantics<subcore_parallel>], iteration_bounds = array<i64: 2, 16>, scalar_prefetch = 0 : i64, scratch_operands = 5 : i64, tpu.core_type = #tpu.core_type<sc_vector_subcore>, window_params = [{transform_indices = #map}, {transform_indices = #map}, {transform_indices = #map}, {transform_indices = #map}, {transform_indices = #map1}]} {
    %mul3A = arith.constant 2 : i32
    %mul3A_0 = arith.muli %arg1, %mul3A : i32
    %add3A = arith.addi %mul3A_0, %arg0 : i32
    %mul3A_1 = arith.constant 625 : i32
    %mul3A_2 = arith.muli %arg1, %mul3A_1 : i32
    %mul3A_3 = arith.constant 625 : i32
    %mul3A_4 = arith.muli %arg1, %mul3A_3 : i32
    "tpu.region"() ({
      %run_scoped3A = tpu.sem_alloc : memref<!tpu.dma_semaphore, #tpu.memory_space<semaphore_mem>>
      %dma_start3A = arith.constant 0 : i32
      %dma_start3A_25 = tpu.memref_slice %arg7[%mul3A_4, %dma_start3A] : memref<10000x144xf32, #tpu.memory_space<vmem_shared>> -> memref<625x144xf32, #tpu.memory_space<vmem_shared>>
      %dma_start3A_26 = arith.constant 0 : i32
      %dma_start3A_27 = tpu.memref_slice %arg5[%mul3A_2, %dma_start3A_26] : memref<10000x144xf32, #tpu.memory_space<hbm>> -> memref<625x144xf32, #tpu.memory_space<hbm>>
      tpu.enqueue_dma source(%dma_start3A_27 : memref<625x144xf32, #tpu.memory_space<hbm>>) target(%dma_start3A_25 : memref<625x144xf32, #tpu.memory_space<vmem_shared>>) target_semaphore(%run_scoped3A : memref<!tpu.dma_semaphore, #tpu.memory_space<semaphore_mem>>)
      %dma_wait3A = arith.constant 0 : i32
      %dma_wait3A_28 = tpu.memref_slice %arg7[%mul3A_4, %dma_wait3A] : memref<10000x144xf32, #tpu.memory_space<vmem_shared>> -> memref<625x144xf32, #tpu.memory_space<vmem_shared>>
      %dma_wait3A_29 = arith.constant 0 : i32
      %dma_wait3A_30 = tpu.memref_slice %arg5[%mul3A_2, %dma_wait3A_29] : memref<10000x144xf32, #tpu.memory_space<hbm>> -> memref<625x144xf32, #tpu.memory_space<hbm>>
      tpu.wait_dma2 semaphore(%run_scoped3A : memref<!tpu.dma_semaphore, #tpu.memory_space<semaphore_mem>>) src(%dma_wait3A_30 : memref<625x144xf32, #tpu.memory_space<hbm>>) dst(%dma_wait3A_28 : memref<625x144xf32, #tpu.memory_space<vmem_shared>>)
      tpu.yield
    }) : () -> ()
    %barrier3A = arith.constant 0 : index
    tpu.barrier barrier_id(%barrier3A)
    %mul3A_5 = arith.constant 39 : i32
    %mul3A_6 = arith.muli %mul3A_5, %add3A : i32
    %min3A = arith.constant 2 : i32
    %min3A_7 = arith.minsi %add3A, %min3A : i32
    %add3A_8 = arith.addi %mul3A_6, %min3A_7 : i32
    %lt3A = arith.constant 2 : i32
    %lt3A_9 = arith.cmpi slt, %add3A, %lt3A : i32
    %jit3A = arith.constant 40 : i32
    %jit3A_10 = arith.constant 39 : i32
    %select_n3A = arith.select %lt3A_9, %jit3A, %jit3A_10 : i32
    "tpu.region"() ({
      %run_scoped3A = tpu.sem_alloc : memref<!tpu.dma_semaphore, #tpu.memory_space<semaphore_mem>>
      %dma_start3A = arith.constant 0 : i32
      %dma_start3A_25 = tpu.memref_slice %arg3[%add3A_8, %dma_start3A] : memref<1280x128xi32, #tpu.memory_space<hbm>> -> memref<40x128xi32, #tpu.memory_space<hbm>>
      %dma_start3A_26 = arith.constant 0 : i32
      %dma_start3A_27 = tpu.memref_slice %arg3[%add3A_8, %dma_start3A_26] : memref<1280x128xi32, #tpu.memory_space<hbm>> -> memref<40x128xi32, #tpu.memory_space<hbm>>
      tpu.enqueue_dma source(%dma_start3A_27 : memref<40x128xi32, #tpu.memory_space<hbm>>) target(%arg8 : memref<40x128xi32, #tpu.memory_space<vmem>>) target_semaphore(%run_scoped3A : memref<!tpu.dma_semaphore, #tpu.memory_space<semaphore_mem>>)
      %dma_wait3A = arith.constant 0 : i32
      %dma_wait3A_28 = tpu.memref_slice %arg3[%add3A_8, %dma_wait3A] : memref<1280x128xi32, #tpu.memory_space<hbm>> -> memref<40x128xi32, #tpu.memory_space<hbm>>
      %dma_wait3A_29 = arith.constant 0 : i32
      %dma_wait3A_30 = tpu.memref_slice %arg3[%add3A_8, %dma_wait3A_29] : memref<1280x128xi32, #tpu.memory_space<hbm>> -> memref<40x128xi32, #tpu.memory_space<hbm>>
      tpu.wait_dma2 semaphore(%run_scoped3A : memref<!tpu.dma_semaphore, #tpu.memory_space<semaphore_mem>>) src(%dma_wait3A_30 : memref<40x128xi32, #tpu.memory_space<hbm>>) dst(%arg8 : memref<40x128xi32, #tpu.memory_space<vmem>>)
      tpu.yield
    }) : () -> ()
    "tpu.region"() ({
      %run_scoped3A = tpu.sem_alloc : memref<!tpu.dma_semaphore, #tpu.memory_space<semaphore_mem>>
      %dma_start3A = arith.constant 0 : i32
      %dma_start3A_25 = tpu.memref_slice %arg4[%add3A_8, %dma_start3A] : memref<1280x128xi32, #tpu.memory_space<hbm>> -> memref<40x128xi32, #tpu.memory_space<hbm>>
      %dma_start3A_26 = arith.constant 0 : i32
      %dma_start3A_27 = tpu.memref_slice %arg4[%add3A_8, %dma_start3A_26] : memref<1280x128xi32, #tpu.memory_space<hbm>> -> memref<40x128xi32, #tpu.memory_space<hbm>>
      tpu.enqueue_dma source(%dma_start3A_27 : memref<40x128xi32, #tpu.memory_space<hbm>>) target(%arg9 : memref<40x128xi32, #tpu.memory_space<vmem>>) target_semaphore(%run_scoped3A : memref<!tpu.dma_semaphore, #tpu.memory_space<semaphore_mem>>)
      %dma_wait3A = arith.constant 0 : i32
      %dma_wait3A_28 = tpu.memref_slice %arg4[%add3A_8, %dma_wait3A] : memref<1280x128xi32, #tpu.memory_space<hbm>> -> memref<40x128xi32, #tpu.memory_space<hbm>>
      %dma_wait3A_29 = arith.constant 0 : i32
      %dma_wait3A_30 = tpu.memref_slice %arg4[%add3A_8, %dma_wait3A_29] : memref<1280x128xi32, #tpu.memory_space<hbm>> -> memref<40x128xi32, #tpu.memory_space<hbm>>
      tpu.wait_dma2 semaphore(%run_scoped3A : memref<!tpu.dma_semaphore, #tpu.memory_space<semaphore_mem>>) src(%dma_wait3A_30 : memref<40x128xi32, #tpu.memory_space<hbm>>) dst(%arg9 : memref<40x128xi32, #tpu.memory_space<vmem>>)
      tpu.yield
    }) : () -> ()
    %while3A = arith.constant 0 : i32
    %while3A_11 = arith.constant 0 : i32
    %while3A_12 = arith.subi %select_n3A, %while3A_11 : i32
    %while3A_13 = arith.addi %while3A_11, %while3A_12 : i32
    %while3A_14 = arith.constant 1 : i32
    %while3A_15 = arith.divsi %while3A_12, %while3A_14 : i32
    %while3A_16 = arith.muli %while3A_15, %while3A_14 : i32
    %while3A_17 = arith.addi %while3A_11, %while3A_16 : i32
    %while3A_18 = arith.constant 1 : i32
    scf.for %while3A_25 = %while3A_11 to %while3A_17 step %while3A_18  : i32 {
      %dma_start3A = arith.constant 0 : i32
      %dma_start3A_26 = tpu.memref_slice %arg8[%while3A_25, %dma_start3A] : memref<40x128xi32, #tpu.memory_space<vmem>> -> memref<1x128xi32, #tpu.memory_space<vmem>>
      %dma_start3A_27 = tpu.memref_squeeze %dma_start3A_26 : memref<1x128xi32, #tpu.memory_space<vmem>> -> memref<128xi32, #tpu.memory_space<vmem>>
      %dma_start3A_28 = arith.constant 0 : i32
      %dma_start3A_29 = arith.constant 0 : i32
      %dma_start3A_30 = tpu.memref_slice %arg2[%dma_start3A_28, %dma_start3A_29] : memref<10000x144xf32, #tpu.memory_space<hbm>> -> memref<10000x144xf32, #tpu.memory_space<hbm>>
      tpu.enqueue_indirect_dma source(%dma_start3A_30 : memref<10000x144xf32, #tpu.memory_space<hbm>>) target(%arg10 : memref<128x144xf32, #tpu.memory_space<vmem>>) offsets(%dma_start3A_27 : memref<128xi32, #tpu.memory_space<vmem>>) semaphore(%arg11 : memref<!tpu.dma_semaphore, #tpu.memory_space<semaphore_mem>>)
      %dma_wait3A = arith.constant 0 : i32
      %dma_wait3A_31 = tpu.memref_slice %arg8[%while3A_25, %dma_wait3A] : memref<40x128xi32, #tpu.memory_space<vmem>> -> memref<1x128xi32, #tpu.memory_space<vmem>>
      %dma_wait3A_32 = tpu.memref_squeeze %dma_wait3A_31 : memref<1x128xi32, #tpu.memory_space<vmem>> -> memref<128xi32, #tpu.memory_space<vmem>>
      %dma_wait3A_33 = arith.constant 0 : i32
      %dma_wait3A_34 = arith.constant 0 : i32
      %dma_wait3A_35 = tpu.memref_slice %arg2[%dma_wait3A_33, %dma_wait3A_34] : memref<10000x144xf32, #tpu.memory_space<hbm>> -> memref<10000x144xf32, #tpu.memory_space<hbm>>
      tpu.wait_indirect_dma semaphore(%arg11 : memref<!tpu.dma_semaphore, #tpu.memory_space<semaphore_mem>>) src(%dma_wait3A_35 : memref<10000x144xf32, #tpu.memory_space<hbm>>) dst(%arg10 : memref<128x144xf32, #tpu.memory_space<vmem>>)
      "tpu.region"() ({
        %run_scoped3A = tpu.sem_alloc : memref<!tpu.dma_semaphore, #tpu.memory_space<semaphore_mem>>
        %dma_start3A_36 = arith.constant 0 : i32
        %dma_start3A_37 = tpu.memref_slice %arg9[%while3A_25, %dma_start3A_36] : memref<40x128xi32, #tpu.memory_space<vmem>> -> memref<1x128xi32, #tpu.memory_space<vmem>>
        %dma_start3A_38 = tpu.memref_squeeze %dma_start3A_37 : memref<1x128xi32, #tpu.memory_space<vmem>> -> memref<128xi32, #tpu.memory_space<vmem>>
        %dma_start3A_39 = arith.constant 0 : i32
        %dma_start3A_40 = arith.constant 0 : i32
        %dma_start3A_41 = tpu.memref_slice %arg7[%dma_start3A_39, %dma_start3A_40] : memref<10000x144xf32, #tpu.memory_space<vmem_shared>> -> memref<10000x144xf32, #tpu.memory_space<vmem_shared>>
        tpu.enqueue_indirect_dma source(%arg10 : memref<128x144xf32, #tpu.memory_space<vmem>>) target(%dma_start3A_41 : memref<10000x144xf32, #tpu.memory_space<vmem_shared>>) offsets(%dma_start3A_38 : memref<128xi32, #tpu.memory_space<vmem>>) semaphore(%run_scoped3A : memref<!tpu.dma_semaphore, #tpu.memory_space<semaphore_mem>>) {add = true}
        %dma_wait3A_42 = arith.constant 0 : i32
        %dma_wait3A_43 = tpu.memref_slice %arg9[%while3A_25, %dma_wait3A_42] : memref<40x128xi32, #tpu.memory_space<vmem>> -> memref<1x128xi32, #tpu.memory_space<vmem>>
        %dma_wait3A_44 = tpu.memref_squeeze %dma_wait3A_43 : memref<1x128xi32, #tpu.memory_space<vmem>> -> memref<128xi32, #tpu.memory_space<vmem>>
        %dma_wait3A_45 = arith.constant 0 : i32
        %dma_wait3A_46 = arith.constant 0 : i32
        %dma_wait3A_47 = tpu.memref_slice %arg7[%dma_wait3A_45, %dma_wait3A_46] : memref<10000x144xf32, #tpu.memory_space<vmem_shared>> -> memref<10000x144xf32, #tpu.memory_space<vmem_shared>>
        tpu.wait_indirect_dma semaphore(%run_scoped3A : memref<!tpu.dma_semaphore, #tpu.memory_space<semaphore_mem>>) src(%arg10 : memref<128x144xf32, #tpu.memory_space<vmem>>) dst(%dma_wait3A_47 : memref<10000x144xf32, #tpu.memory_space<vmem_shared>>)
        tpu.yield
      }) : () -> ()
    }
    %while3A_19 = arith.constant 1 : i32
    scf.for %while3A_25 = %while3A_17 to %while3A_13 step %while3A_19  : i32 {
      %dma_start3A = arith.constant 0 : i32
      %dma_start3A_26 = tpu.memref_slice %arg8[%while3A_25, %dma_start3A] : memref<40x128xi32, #tpu.memory_space<vmem>> -> memref<1x128xi32, #tpu.memory_space<vmem>>
      %dma_start3A_27 = tpu.memref_squeeze %dma_start3A_26 : memref<1x128xi32, #tpu.memory_space<vmem>> -> memref<128xi32, #tpu.memory_space<vmem>>
      %dma_start3A_28 = arith.constant 0 : i32
      %dma_start3A_29 = arith.constant 0 : i32
      %dma_start3A_30 = tpu.memref_slice %arg2[%dma_start3A_28, %dma_start3A_29] : memref<10000x144xf32, #tpu.memory_space<hbm>> -> memref<10000x144xf32, #tpu.memory_space<hbm>>
      tpu.enqueue_indirect_dma source(%dma_start3A_30 : memref<10000x144xf32, #tpu.memory_space<hbm>>) target(%arg10 : memref<128x144xf32, #tpu.memory_space<vmem>>) offsets(%dma_start3A_27 : memref<128xi32, #tpu.memory_space<vmem>>) semaphore(%arg11 : memref<!tpu.dma_semaphore, #tpu.memory_space<semaphore_mem>>)
      %dma_wait3A = arith.constant 0 : i32
      %dma_wait3A_31 = tpu.memref_slice %arg8[%while3A_25, %dma_wait3A] : memref<40x128xi32, #tpu.memory_space<vmem>> -> memref<1x128xi32, #tpu.memory_space<vmem>>
      %dma_wait3A_32 = tpu.memref_squeeze %dma_wait3A_31 : memref<1x128xi32, #tpu.memory_space<vmem>> -> memref<128xi32, #tpu.memory_space<vmem>>
      %dma_wait3A_33 = arith.constant 0 : i32
      %dma_wait3A_34 = arith.constant 0 : i32
      %dma_wait3A_35 = tpu.memref_slice %arg2[%dma_wait3A_33, %dma_wait3A_34] : memref<10000x144xf32, #tpu.memory_space<hbm>> -> memref<10000x144xf32, #tpu.memory_space<hbm>>
      tpu.wait_indirect_dma semaphore(%arg11 : memref<!tpu.dma_semaphore, #tpu.memory_space<semaphore_mem>>) src(%dma_wait3A_35 : memref<10000x144xf32, #tpu.memory_space<hbm>>) dst(%arg10 : memref<128x144xf32, #tpu.memory_space<vmem>>)
      "tpu.region"() ({
        %run_scoped3A = tpu.sem_alloc : memref<!tpu.dma_semaphore, #tpu.memory_space<semaphore_mem>>
        %dma_start3A_36 = arith.constant 0 : i32
        %dma_start3A_37 = tpu.memref_slice %arg9[%while3A_25, %dma_start3A_36] : memref<40x128xi32, #tpu.memory_space<vmem>> -> memref<1x128xi32, #tpu.memory_space<vmem>>
        %dma_start3A_38 = tpu.memref_squeeze %dma_start3A_37 : memref<1x128xi32, #tpu.memory_space<vmem>> -> memref<128xi32, #tpu.memory_space<vmem>>
        %dma_start3A_39 = arith.constant 0 : i32
        %dma_start3A_40 = arith.constant 0 : i32
        %dma_start3A_41 = tpu.memref_slice %arg7[%dma_start3A_39, %dma_start3A_40] : memref<10000x144xf32, #tpu.memory_space<vmem_shared>> -> memref<10000x144xf32, #tpu.memory_space<vmem_shared>>
        tpu.enqueue_indirect_dma source(%arg10 : memref<128x144xf32, #tpu.memory_space<vmem>>) target(%dma_start3A_41 : memref<10000x144xf32, #tpu.memory_space<vmem_shared>>) offsets(%dma_start3A_38 : memref<128xi32, #tpu.memory_space<vmem>>) semaphore(%run_scoped3A : memref<!tpu.dma_semaphore, #tpu.memory_space<semaphore_mem>>) {add = true}
        %dma_wait3A_42 = arith.constant 0 : i32
        %dma_wait3A_43 = tpu.memref_slice %arg9[%while3A_25, %dma_wait3A_42] : memref<40x128xi32, #tpu.memory_space<vmem>> -> memref<1x128xi32, #tpu.memory_space<vmem>>
        %dma_wait3A_44 = tpu.memref_squeeze %dma_wait3A_43 : memref<1x128xi32, #tpu.memory_space<vmem>> -> memref<128xi32, #tpu.memory_space<vmem>>
        %dma_wait3A_45 = arith.constant 0 : i32
        %dma_wait3A_46 = arith.constant 0 : i32
        %dma_wait3A_47 = tpu.memref_slice %arg7[%dma_wait3A_45, %dma_wait3A_46] : memref<10000x144xf32, #tpu.memory_space<vmem_shared>> -> memref<10000x144xf32, #tpu.memory_space<vmem_shared>>
        tpu.wait_indirect_dma semaphore(%run_scoped3A : memref<!tpu.dma_semaphore, #tpu.memory_space<semaphore_mem>>) src(%arg10 : memref<128x144xf32, #tpu.memory_space<vmem>>) dst(%dma_wait3A_47 : memref<10000x144xf32, #tpu.memory_space<vmem_shared>>)
        tpu.yield
      }) : () -> ()
    }
    %barrier3A_20 = arith.constant 0 : index
    tpu.barrier barrier_id(%barrier3A_20)
    %mul3A_21 = arith.constant 625 : i32
    %mul3A_22 = arith.muli %arg1, %mul3A_21 : i32
    %mul3A_23 = arith.constant 625 : i32
    %mul3A_24 = arith.muli %arg1, %mul3A_23 : i32
    "tpu.region"() ({
      %run_scoped3A = tpu.sem_alloc : memref<!tpu.dma_semaphore, #tpu.memory_space<semaphore_mem>>
      %dma_start3A = arith.constant 0 : i32
      %dma_start3A_25 = tpu.memref_slice %arg6[%arg0, %mul3A_24, %dma_start3A] : memref<2x10000x144xf32, #tpu.memory_space<hbm>> -> memref<1x625x144xf32, #tpu.memory_space<hbm>>
      %dma_start3A_26 = tpu.memref_squeeze %dma_start3A_25 : memref<1x625x144xf32, #tpu.memory_space<hbm>> -> memref<625x144xf32, #tpu.memory_space<hbm>>
      %dma_start3A_27 = arith.constant 0 : i32
      %dma_start3A_28 = tpu.memref_slice %arg7[%mul3A_22, %dma_start3A_27] : memref<10000x144xf32, #tpu.memory_space<vmem_shared>> -> memref<625x144xf32, #tpu.memory_space<vmem_shared>>
      tpu.enqueue_dma source(%dma_start3A_28 : memref<625x144xf32, #tpu.memory_space<vmem_shared>>) target(%dma_start3A_26 : memref<625x144xf32, #tpu.memory_space<hbm>>) target_semaphore(%run_scoped3A : memref<!tpu.dma_semaphore, #tpu.memory_space<semaphore_mem>>)
      %dma_wait3A = arith.constant 0 : i32
      %dma_wait3A_29 = tpu.memref_slice %arg6[%arg0, %mul3A_24, %dma_wait3A] : memref<2x10000x144xf32, #tpu.memory_space<hbm>> -> memref<1x625x144xf32, #tpu.memory_space<hbm>>
      %dma_wait3A_30 = tpu.memref_squeeze %dma_wait3A_29 : memref<1x625x144xf32, #tpu.memory_space<hbm>> -> memref<625x144xf32, #tpu.memory_space<hbm>>
      %dma_wait3A_31 = arith.constant 0 : i32
      %dma_wait3A_32 = tpu.memref_slice %arg7[%mul3A_22, %dma_wait3A_31] : memref<10000x144xf32, #tpu.memory_space<vmem_shared>> -> memref<625x144xf32, #tpu.memory_space<vmem_shared>>
      tpu.wait_dma2 semaphore(%run_scoped3A : memref<!tpu.dma_semaphore, #tpu.memory_space<semaphore_mem>>) src(%dma_wait3A_32 : memref<625x144xf32, #tpu.memory_space<vmem_shared>>) dst(%dma_wait3A_30 : memref<625x144xf32, #tpu.memory_space<hbm>>)
      tpu.yield
    }) : () -> ()
    return
  }
}

#map = affine_map<(d0, d1) -> (0, 0)>
#map1 = affine_map<(d0, d1) -> (0, 0, 0)>
module attributes {stable_mosaic.version = 14 : i64} {
  func.func @_sc_body(%arg0: i32, %arg1: i32, %arg2: memref<10000x144xf32, #tpu.memory_space<hbm>>, %arg3: memref<1280x128xi32, #tpu.memory_space<hbm>>, %arg4: memref<1280x128xi32, #tpu.memory_space<hbm>>, %arg5: memref<10000x144xf32, #tpu.memory_space<hbm>>, %arg6: memref<2x10000x144xf32, #tpu.memory_space<hbm>>, %arg7: memref<10000x144xf32, #tpu.memory_space<vmem_shared>>, %arg8: memref<40x128xi32, #tpu.memory_space<vmem>>, %arg9: memref<40x128xi32, #tpu.memory_space<vmem>>, %arg10: memref<128x144xf32, #tpu.memory_space<vmem>>, %arg11: memref<!tpu.dma_semaphore, #tpu.memory_space<semaphore_mem>>) attributes {dimension_semantics = [#tpu.dimension_semantics<core_parallel>, #tpu.dimension_semantics<subcore_parallel>], iteration_bounds = array<i64: 2, 16>, scalar_prefetch = 0 : i64, scratch_operands = 5 : i64, tpu.core_type = #tpu.core_type<sc_vector_subcore>, window_params = [{transform_indices = #map}, {transform_indices = #map}, {transform_indices = #map}, {transform_indices = #map}, {transform_indices = #map1}]} {
    %mul3A = arith.constant 2 : i32
    %mul3A_0 = arith.muli %arg1, %mul3A : i32
    %add3A = arith.addi %mul3A_0, %arg0 : i32
    %mul3A_1 = arith.constant 625 : i32
    %mul3A_2 = arith.muli %arg1, %mul3A_1 : i32
    %mul3A_3 = arith.constant 625 : i32
    %mul3A_4 = arith.muli %arg1, %mul3A_3 : i32
    "tpu.region"() ({
      %run_scoped3A = tpu.sem_alloc : memref<!tpu.dma_semaphore, #tpu.memory_space<semaphore_mem>>
      %dma_start3A = arith.constant 0 : i32
      %dma_start3A_25 = tpu.memref_slice %arg7[%mul3A_4, %dma_start3A] : memref<10000x144xf32, #tpu.memory_space<vmem_shared>> -> memref<625x144xf32, #tpu.memory_space<vmem_shared>>
      %dma_start3A_26 = arith.constant 0 : i32
      %dma_start3A_27 = tpu.memref_slice %arg5[%mul3A_2, %dma_start3A_26] : memref<10000x144xf32, #tpu.memory_space<hbm>> -> memref<625x144xf32, #tpu.memory_space<hbm>>
      tpu.enqueue_dma source(%dma_start3A_27 : memref<625x144xf32, #tpu.memory_space<hbm>>) target(%dma_start3A_25 : memref<625x144xf32, #tpu.memory_space<vmem_shared>>) target_semaphore(%run_scoped3A : memref<!tpu.dma_semaphore, #tpu.memory_space<semaphore_mem>>)
      %dma_wait3A = arith.constant 0 : i32
      %dma_wait3A_28 = tpu.memref_slice %arg7[%mul3A_4, %dma_wait3A] : memref<10000x144xf32, #tpu.memory_space<vmem_shared>> -> memref<625x144xf32, #tpu.memory_space<vmem_shared>>
      %dma_wait3A_29 = arith.constant 0 : i32
      %dma_wait3A_30 = tpu.memref_slice %arg5[%mul3A_2, %dma_wait3A_29] : memref<10000x144xf32, #tpu.memory_space<hbm>> -> memref<625x144xf32, #tpu.memory_space<hbm>>
      tpu.wait_dma2 semaphore(%run_scoped3A : memref<!tpu.dma_semaphore, #tpu.memory_space<semaphore_mem>>) src(%dma_wait3A_30 : memref<625x144xf32, #tpu.memory_space<hbm>>) dst(%dma_wait3A_28 : memref<625x144xf32, #tpu.memory_space<vmem_shared>>)
      tpu.yield
    }) : () -> ()
    %barrier3A = arith.constant 0 : index
    tpu.barrier barrier_id(%barrier3A)
    %mul3A_5 = arith.constant 39 : i32
    %mul3A_6 = arith.muli %mul3A_5, %add3A : i32
    %min3A = arith.constant 2 : i32
    %min3A_7 = arith.minsi %add3A, %min3A : i32
    %add3A_8 = arith.addi %mul3A_6, %min3A_7 : i32
    %lt3A = arith.constant 2 : i32
    %lt3A_9 = arith.cmpi slt, %add3A, %lt3A : i32
    %jit3A = arith.constant 40 : i32
    %jit3A_10 = arith.constant 39 : i32
    %select_n3A = arith.select %lt3A_9, %jit3A, %jit3A_10 : i32
    "tpu.region"() ({
      %run_scoped3A = tpu.sem_alloc : memref<!tpu.dma_semaphore, #tpu.memory_space<semaphore_mem>>
      %dma_start3A = arith.constant 0 : i32
      %dma_start3A_25 = tpu.memref_slice %arg3[%add3A_8, %dma_start3A] : memref<1280x128xi32, #tpu.memory_space<hbm>> -> memref<40x128xi32, #tpu.memory_space<hbm>>
      %dma_start3A_26 = arith.constant 0 : i32
      %dma_start3A_27 = tpu.memref_slice %arg3[%add3A_8, %dma_start3A_26] : memref<1280x128xi32, #tpu.memory_space<hbm>> -> memref<40x128xi32, #tpu.memory_space<hbm>>
      tpu.enqueue_dma source(%dma_start3A_27 : memref<40x128xi32, #tpu.memory_space<hbm>>) target(%arg8 : memref<40x128xi32, #tpu.memory_space<vmem>>) target_semaphore(%run_scoped3A : memref<!tpu.dma_semaphore, #tpu.memory_space<semaphore_mem>>)
      %dma_wait3A = arith.constant 0 : i32
      %dma_wait3A_28 = tpu.memref_slice %arg3[%add3A_8, %dma_wait3A] : memref<1280x128xi32, #tpu.memory_space<hbm>> -> memref<40x128xi32, #tpu.memory_space<hbm>>
      %dma_wait3A_29 = arith.constant 0 : i32
      %dma_wait3A_30 = tpu.memref_slice %arg3[%add3A_8, %dma_wait3A_29] : memref<1280x128xi32, #tpu.memory_space<hbm>> -> memref<40x128xi32, #tpu.memory_space<hbm>>
      tpu.wait_dma2 semaphore(%run_scoped3A : memref<!tpu.dma_semaphore, #tpu.memory_space<semaphore_mem>>) src(%dma_wait3A_30 : memref<40x128xi32, #tpu.memory_space<hbm>>) dst(%arg8 : memref<40x128xi32, #tpu.memory_space<vmem>>)
      tpu.yield
    }) : () -> ()
    "tpu.region"() ({
      %run_scoped3A = tpu.sem_alloc : memref<!tpu.dma_semaphore, #tpu.memory_space<semaphore_mem>>
      %dma_start3A = arith.constant 0 : i32
      %dma_start3A_25 = tpu.memref_slice %arg4[%add3A_8, %dma_start3A] : memref<1280x128xi32, #tpu.memory_space<hbm>> -> memref<40x128xi32, #tpu.memory_space<hbm>>
      %dma_start3A_26 = arith.constant 0 : i32
      %dma_start3A_27 = tpu.memref_slice %arg4[%add3A_8, %dma_start3A_26] : memref<1280x128xi32, #tpu.memory_space<hbm>> -> memref<40x128xi32, #tpu.memory_space<hbm>>
      tpu.enqueue_dma source(%dma_start3A_27 : memref<40x128xi32, #tpu.memory_space<hbm>>) target(%arg9 : memref<40x128xi32, #tpu.memory_space<vmem>>) target_semaphore(%run_scoped3A : memref<!tpu.dma_semaphore, #tpu.memory_space<semaphore_mem>>)
      %dma_wait3A = arith.constant 0 : i32
      %dma_wait3A_28 = tpu.memref_slice %arg4[%add3A_8, %dma_wait3A] : memref<1280x128xi32, #tpu.memory_space<hbm>> -> memref<40x128xi32, #tpu.memory_space<hbm>>
      %dma_wait3A_29 = arith.constant 0 : i32
      %dma_wait3A_30 = tpu.memref_slice %arg4[%add3A_8, %dma_wait3A_29] : memref<1280x128xi32, #tpu.memory_space<hbm>> -> memref<40x128xi32, #tpu.memory_space<hbm>>
      tpu.wait_dma2 semaphore(%run_scoped3A : memref<!tpu.dma_semaphore, #tpu.memory_space<semaphore_mem>>) src(%dma_wait3A_30 : memref<40x128xi32, #tpu.memory_space<hbm>>) dst(%arg9 : memref<40x128xi32, #tpu.memory_space<vmem>>)
      tpu.yield
    }) : () -> ()
    %while3A = arith.constant 0 : i32
    %while3A_11 = arith.constant 0 : i32
    %while3A_12 = arith.subi %select_n3A, %while3A_11 : i32
    %while3A_13 = arith.addi %while3A_11, %while3A_12 : i32
    %while3A_14 = arith.constant 1 : i32
    %while3A_15 = arith.divsi %while3A_12, %while3A_14 : i32
    %while3A_16 = arith.muli %while3A_15, %while3A_14 : i32
    %while3A_17 = arith.addi %while3A_11, %while3A_16 : i32
    %while3A_18 = arith.constant 1 : i32
    scf.for %while3A_25 = %while3A_11 to %while3A_17 step %while3A_18  : i32 {
      %dma_start3A = arith.constant 0 : i32
      %dma_start3A_26 = tpu.memref_slice %arg8[%while3A_25, %dma_start3A] : memref<40x128xi32, #tpu.memory_space<vmem>> -> memref<1x128xi32, #tpu.memory_space<vmem>>
      %dma_start3A_27 = tpu.memref_squeeze %dma_start3A_26 : memref<1x128xi32, #tpu.memory_space<vmem>> -> memref<128xi32, #tpu.memory_space<vmem>>
      %dma_start3A_28 = arith.constant 0 : i32
      %dma_start3A_29 = arith.constant 0 : i32
      %dma_start3A_30 = tpu.memref_slice %arg2[%dma_start3A_28, %dma_start3A_29] : memref<10000x144xf32, #tpu.memory_space<hbm>> -> memref<10000x144xf32, #tpu.memory_space<hbm>>
      tpu.enqueue_indirect_dma source(%dma_start3A_30 : memref<10000x144xf32, #tpu.memory_space<hbm>>) target(%arg10 : memref<128x144xf32, #tpu.memory_space<vmem>>) offsets(%dma_start3A_27 : memref<128xi32, #tpu.memory_space<vmem>>) semaphore(%arg11 : memref<!tpu.dma_semaphore, #tpu.memory_space<semaphore_mem>>)
      %dma_wait3A = arith.constant 0 : i32
      %dma_wait3A_31 = tpu.memref_slice %arg8[%while3A_25, %dma_wait3A] : memref<40x128xi32, #tpu.memory_space<vmem>> -> memref<1x128xi32, #tpu.memory_space<vmem>>
      %dma_wait3A_32 = tpu.memref_squeeze %dma_wait3A_31 : memref<1x128xi32, #tpu.memory_space<vmem>> -> memref<128xi32, #tpu.memory_space<vmem>>
      %dma_wait3A_33 = arith.constant 0 : i32
      %dma_wait3A_34 = arith.constant 0 : i32
      %dma_wait3A_35 = tpu.memref_slice %arg2[%dma_wait3A_33, %dma_wait3A_34] : memref<10000x144xf32, #tpu.memory_space<hbm>> -> memref<10000x144xf32, #tpu.memory_space<hbm>>
      tpu.wait_indirect_dma semaphore(%arg11 : memref<!tpu.dma_semaphore, #tpu.memory_space<semaphore_mem>>) src(%dma_wait3A_35 : memref<10000x144xf32, #tpu.memory_space<hbm>>) dst(%arg10 : memref<128x144xf32, #tpu.memory_space<vmem>>)
      "tpu.region"() ({
        %run_scoped3A = tpu.sem_alloc : memref<!tpu.dma_semaphore, #tpu.memory_space<semaphore_mem>>
        %dma_start3A_36 = arith.constant 0 : i32
        %dma_start3A_37 = tpu.memref_slice %arg9[%while3A_25, %dma_start3A_36] : memref<40x128xi32, #tpu.memory_space<vmem>> -> memref<1x128xi32, #tpu.memory_space<vmem>>
        %dma_start3A_38 = tpu.memref_squeeze %dma_start3A_37 : memref<1x128xi32, #tpu.memory_space<vmem>> -> memref<128xi32, #tpu.memory_space<vmem>>
        %dma_start3A_39 = arith.constant 0 : i32
        %dma_start3A_40 = arith.constant 0 : i32
        %dma_start3A_41 = tpu.memref_slice %arg7[%dma_start3A_39, %dma_start3A_40] : memref<10000x144xf32, #tpu.memory_space<vmem_shared>> -> memref<10000x144xf32, #tpu.memory_space<vmem_shared>>
        tpu.enqueue_indirect_dma source(%arg10 : memref<128x144xf32, #tpu.memory_space<vmem>>) target(%dma_start3A_41 : memref<10000x144xf32, #tpu.memory_space<vmem_shared>>) offsets(%dma_start3A_38 : memref<128xi32, #tpu.memory_space<vmem>>) semaphore(%run_scoped3A : memref<!tpu.dma_semaphore, #tpu.memory_space<semaphore_mem>>) {add = true}
        %dma_wait3A_42 = arith.constant 0 : i32
        %dma_wait3A_43 = tpu.memref_slice %arg9[%while3A_25, %dma_wait3A_42] : memref<40x128xi32, #tpu.memory_space<vmem>> -> memref<1x128xi32, #tpu.memory_space<vmem>>
        %dma_wait3A_44 = tpu.memref_squeeze %dma_wait3A_43 : memref<1x128xi32, #tpu.memory_space<vmem>> -> memref<128xi32, #tpu.memory_space<vmem>>
        %dma_wait3A_45 = arith.constant 0 : i32
        %dma_wait3A_46 = arith.constant 0 : i32
        %dma_wait3A_47 = tpu.memref_slice %arg7[%dma_wait3A_45, %dma_wait3A_46] : memref<10000x144xf32, #tpu.memory_space<vmem_shared>> -> memref<10000x144xf32, #tpu.memory_space<vmem_shared>>
        tpu.wait_indirect_dma semaphore(%run_scoped3A : memref<!tpu.dma_semaphore, #tpu.memory_space<semaphore_mem>>) src(%arg10 : memref<128x144xf32, #tpu.memory_space<vmem>>) dst(%dma_wait3A_47 : memref<10000x144xf32, #tpu.memory_space<vmem_shared>>)
        tpu.yield
      }) : () -> ()
    }
    %while3A_19 = arith.constant 1 : i32
    scf.for %while3A_25 = %while3A_17 to %while3A_13 step %while3A_19  : i32 {
      %dma_start3A = arith.constant 0 : i32
      %dma_start3A_26 = tpu.memref_slice %arg8[%while3A_25, %dma_start3A] : memref<40x128xi32, #tpu.memory_space<vmem>> -> memref<1x128xi32, #tpu.memory_space<vmem>>
      %dma_start3A_27 = tpu.memref_squeeze %dma_start3A_26 : memref<1x128xi32, #tpu.memory_space<vmem>> -> memref<128xi32, #tpu.memory_space<vmem>>
      %dma_start3A_28 = arith.constant 0 : i32
      %dma_start3A_29 = arith.constant 0 : i32
      %dma_start3A_30 = tpu.memref_slice %arg2[%dma_start3A_28, %dma_start3A_29] : memref<10000x144xf32, #tpu.memory_space<hbm>> -> memref<10000x144xf32, #tpu.memory_space<hbm>>
      tpu.enqueue_indirect_dma source(%dma_start3A_30 : memref<10000x144xf32, #tpu.memory_space<hbm>>) target(%arg10 : memref<128x144xf32, #tpu.memory_space<vmem>>) offsets(%dma_start3A_27 : memref<128xi32, #tpu.memory_space<vmem>>) semaphore(%arg11 : memref<!tpu.dma_semaphore, #tpu.memory_space<semaphore_mem>>)
      %dma_wait3A = arith.constant 0 : i32
      %dma_wait3A_31 = tpu.memref_slice %arg8[%while3A_25, %dma_wait3A] : memref<40x128xi32, #tpu.memory_space<vmem>> -> memref<1x128xi32, #tpu.memory_space<vmem>>
      %dma_wait3A_32 = tpu.memref_squeeze %dma_wait3A_31 : memref<1x128xi32, #tpu.memory_space<vmem>> -> memref<128xi32, #tpu.memory_space<vmem>>
      %dma_wait3A_33 = arith.constant 0 : i32
      %dma_wait3A_34 = arith.constant 0 : i32
      %dma_wait3A_35 = tpu.memref_slice %arg2[%dma_wait3A_33, %dma_wait3A_34] : memref<10000x144xf32, #tpu.memory_space<hbm>> -> memref<10000x144xf32, #tpu.memory_space<hbm>>
      tpu.wait_indirect_dma semaphore(%arg11 : memref<!tpu.dma_semaphore, #tpu.memory_space<semaphore_mem>>) src(%dma_wait3A_35 : memref<10000x144xf32, #tpu.memory_space<hbm>>) dst(%arg10 : memref<128x144xf32, #tpu.memory_space<vmem>>)
      "tpu.region"() ({
        %run_scoped3A = tpu.sem_alloc : memref<!tpu.dma_semaphore, #tpu.memory_space<semaphore_mem>>
        %dma_start3A_36 = arith.constant 0 : i32
        %dma_start3A_37 = tpu.memref_slice %arg9[%while3A_25, %dma_start3A_36] : memref<40x128xi32, #tpu.memory_space<vmem>> -> memref<1x128xi32, #tpu.memory_space<vmem>>
        %dma_start3A_38 = tpu.memref_squeeze %dma_start3A_37 : memref<1x128xi32, #tpu.memory_space<vmem>> -> memref<128xi32, #tpu.memory_space<vmem>>
        %dma_start3A_39 = arith.constant 0 : i32
        %dma_start3A_40 = arith.constant 0 : i32
        %dma_start3A_41 = tpu.memref_slice %arg7[%dma_start3A_39, %dma_start3A_40] : memref<10000x144xf32, #tpu.memory_space<vmem_shared>> -> memref<10000x144xf32, #tpu.memory_space<vmem_shared>>
        tpu.enqueue_indirect_dma source(%arg10 : memref<128x144xf32, #tpu.memory_space<vmem>>) target(%dma_start3A_41 : memref<10000x144xf32, #tpu.memory_space<vmem_shared>>) offsets(%dma_start3A_38 : memref<128xi32, #tpu.memory_space<vmem>>) semaphore(%run_scoped3A : memref<!tpu.dma_semaphore, #tpu.memory_space<semaphore_mem>>) {add = true}
        %dma_wait3A_42 = arith.constant 0 : i32
        %dma_wait3A_43 = tpu.memref_slice %arg9[%while3A_25, %dma_wait3A_42] : memref<40x128xi32, #tpu.memory_space<vmem>> -> memref<1x128xi32, #tpu.memory_space<vmem>>
        %dma_wait3A_44 = tpu.memref_squeeze %dma_wait3A_43 : memref<1x128xi32, #tpu.memory_space<vmem>> -> memref<128xi32, #tpu.memory_space<vmem>>
        %dma_wait3A_45 = arith.constant 0 : i32
        %dma_wait3A_46 = arith.constant 0 : i32
        %dma_wait3A_47 = tpu.memref_slice %arg7[%dma_wait3A_45, %dma_wait3A_46] : memref<10000x144xf32, #tpu.memory_space<vmem_shared>> -> memref<10000x144xf32, #tpu.memory_space<vmem_shared>>
        tpu.wait_indirect_dma semaphore(%run_scoped3A : memref<!tpu.dma_semaphore, #tpu.memory_space<semaphore_mem>>) src(%arg10 : memref<128x144xf32, #tpu.memory_space<vmem>>) dst(%dma_wait3A_47 : memref<10000x144xf32, #tpu.memory_space<vmem_shared>>)
        tpu.yield
      }) : () -> ()
    }
    %barrier3A_20 = arith.constant 0 : index
    tpu.barrier barrier_id(%barrier3A_20)
    %mul3A_21 = arith.constant 625 : i32
    %mul3A_22 = arith.muli %arg1, %mul3A_21 : i32
    %mul3A_23 = arith.constant 625 : i32
    %mul3A_24 = arith.muli %arg1, %mul3A_23 : i32
    "tpu.region"() ({
      %run_scoped3A = tpu.sem_alloc : memref<!tpu.dma_semaphore, #tpu.memory_space<semaphore_mem>>
      %dma_start3A = arith.constant 0 : i32
      %dma_start3A_25 = tpu.memref_slice %arg6[%arg0, %mul3A_24, %dma_start3A] : memref<2x10000x144xf32, #tpu.memory_space<hbm>> -> memref<1x625x144xf32, #tpu.memory_space<hbm>>
      %dma_start3A_26 = tpu.memref_squeeze %dma_start3A_25 : memref<1x625x144xf32, #tpu.memory_space<hbm>> -> memref<625x144xf32, #tpu.memory_space<hbm>>
      %dma_start3A_27 = arith.constant 0 : i32
      %dma_start3A_28 = tpu.memref_slice %arg7[%mul3A_22, %dma_start3A_27] : memref<10000x144xf32, #tpu.memory_space<vmem_shared>> -> memref<625x144xf32, #tpu.memory_space<vmem_shared>>
      tpu.enqueue_dma source(%dma_start3A_28 : memref<625x144xf32, #tpu.memory_space<vmem_shared>>) target(%dma_start3A_26 : memref<625x144xf32, #tpu.memory_space<hbm>>) target_semaphore(%run_scoped3A : memref<!tpu.dma_semaphore, #tpu.memory_space<semaphore_mem>>)
      %dma_wait3A = arith.constant 0 : i32
      %dma_wait3A_29 = tpu.memref_slice %arg6[%arg0, %mul3A_24, %dma_wait3A] : memref<2x10000x144xf32, #tpu.memory_space<hbm>> -> memref<1x625x144xf32, #tpu.memory_space<hbm>>
      %dma_wait3A_30 = tpu.memref_squeeze %dma_wait3A_29 : memref<1x625x144xf32, #tpu.memory_space<hbm>> -> memref<625x144xf32, #tpu.memory_space<hbm>>
      %dma_wait3A_31 = arith.constant 0 : i32
      %dma_wait3A_32 = tpu.memref_slice %arg7[%mul3A_22, %dma_wait3A_31] : memref<10000x144xf32, #tpu.memory_space<vmem_shared>> -> memref<625x144xf32, #tpu.memory_space<vmem_shared>>
      tpu.wait_dma2 semaphore(%run_scoped3A : memref<!tpu.dma_semaphore, #tpu.memory_space<semaphore_mem>>) src(%dma_wait3A_32 : memref<625x144xf32, #tpu.memory_space<vmem_shared>>) dst(%dma_wait3A_30 : memref<625x144xf32, #tpu.memory_space<hbm>>)
      tpu.yield
    }) : () -> ()
    return
  }
}

#map = affine_map<(d0, d1) -> (0, 0)>
#map1 = affine_map<(d0, d1) -> (0, 0, 0)>
module attributes {stable_mosaic.version = 14 : i64} {
  func.func @_sc_body(%arg0: i32, %arg1: i32, %arg2: memref<10000x144xf32, #tpu.memory_space<hbm>>, %arg3: memref<1280x128xi32, #tpu.memory_space<hbm>>, %arg4: memref<1280x128xi32, #tpu.memory_space<hbm>>, %arg5: memref<10000x144xf32, #tpu.memory_space<hbm>>, %arg6: memref<2x10000x144xf32, #tpu.memory_space<hbm>>, %arg7: memref<10000x144xf32, #tpu.memory_space<vmem_shared>>, %arg8: memref<40x128xi32, #tpu.memory_space<vmem>>, %arg9: memref<40x128xi32, #tpu.memory_space<vmem>>, %arg10: memref<128x144xf32, #tpu.memory_space<vmem>>, %arg11: memref<!tpu.dma_semaphore, #tpu.memory_space<semaphore_mem>>) attributes {dimension_semantics = [#tpu.dimension_semantics<core_parallel>, #tpu.dimension_semantics<subcore_parallel>], iteration_bounds = array<i64: 2, 16>, scalar_prefetch = 0 : i64, scratch_operands = 5 : i64, tpu.core_type = #tpu.core_type<sc_vector_subcore>, window_params = [{transform_indices = #map}, {transform_indices = #map}, {transform_indices = #map}, {transform_indices = #map}, {transform_indices = #map1}]} {
    %mul3A = arith.constant 2 : i32
    %mul3A_0 = arith.muli %arg1, %mul3A : i32
    %add3A = arith.addi %mul3A_0, %arg0 : i32
    %mul3A_1 = arith.constant 625 : i32
    %mul3A_2 = arith.muli %arg1, %mul3A_1 : i32
    %mul3A_3 = arith.constant 625 : i32
    %mul3A_4 = arith.muli %arg1, %mul3A_3 : i32
    "tpu.region"() ({
      %run_scoped3A = tpu.sem_alloc : memref<!tpu.dma_semaphore, #tpu.memory_space<semaphore_mem>>
      %dma_start3A = arith.constant 0 : i32
      %dma_start3A_25 = tpu.memref_slice %arg7[%mul3A_4, %dma_start3A] : memref<10000x144xf32, #tpu.memory_space<vmem_shared>> -> memref<625x144xf32, #tpu.memory_space<vmem_shared>>
      %dma_start3A_26 = arith.constant 0 : i32
      %dma_start3A_27 = tpu.memref_slice %arg5[%mul3A_2, %dma_start3A_26] : memref<10000x144xf32, #tpu.memory_space<hbm>> -> memref<625x144xf32, #tpu.memory_space<hbm>>
      tpu.enqueue_dma source(%dma_start3A_27 : memref<625x144xf32, #tpu.memory_space<hbm>>) target(%dma_start3A_25 : memref<625x144xf32, #tpu.memory_space<vmem_shared>>) target_semaphore(%run_scoped3A : memref<!tpu.dma_semaphore, #tpu.memory_space<semaphore_mem>>)
      %dma_wait3A = arith.constant 0 : i32
      %dma_wait3A_28 = tpu.memref_slice %arg7[%mul3A_4, %dma_wait3A] : memref<10000x144xf32, #tpu.memory_space<vmem_shared>> -> memref<625x144xf32, #tpu.memory_space<vmem_shared>>
      %dma_wait3A_29 = arith.constant 0 : i32
      %dma_wait3A_30 = tpu.memref_slice %arg5[%mul3A_2, %dma_wait3A_29] : memref<10000x144xf32, #tpu.memory_space<hbm>> -> memref<625x144xf32, #tpu.memory_space<hbm>>
      tpu.wait_dma2 semaphore(%run_scoped3A : memref<!tpu.dma_semaphore, #tpu.memory_space<semaphore_mem>>) src(%dma_wait3A_30 : memref<625x144xf32, #tpu.memory_space<hbm>>) dst(%dma_wait3A_28 : memref<625x144xf32, #tpu.memory_space<vmem_shared>>)
      tpu.yield
    }) : () -> ()
    %barrier3A = arith.constant 0 : index
    tpu.barrier barrier_id(%barrier3A)
    %mul3A_5 = arith.constant 39 : i32
    %mul3A_6 = arith.muli %mul3A_5, %add3A : i32
    %min3A = arith.constant 2 : i32
    %min3A_7 = arith.minsi %add3A, %min3A : i32
    %add3A_8 = arith.addi %mul3A_6, %min3A_7 : i32
    %lt3A = arith.constant 2 : i32
    %lt3A_9 = arith.cmpi slt, %add3A, %lt3A : i32
    %jit3A = arith.constant 40 : i32
    %jit3A_10 = arith.constant 39 : i32
    %select_n3A = arith.select %lt3A_9, %jit3A, %jit3A_10 : i32
    "tpu.region"() ({
      %run_scoped3A = tpu.sem_alloc : memref<!tpu.dma_semaphore, #tpu.memory_space<semaphore_mem>>
      %dma_start3A = arith.constant 0 : i32
      %dma_start3A_25 = tpu.memref_slice %arg3[%add3A_8, %dma_start3A] : memref<1280x128xi32, #tpu.memory_space<hbm>> -> memref<40x128xi32, #tpu.memory_space<hbm>>
      %dma_start3A_26 = arith.constant 0 : i32
      %dma_start3A_27 = tpu.memref_slice %arg3[%add3A_8, %dma_start3A_26] : memref<1280x128xi32, #tpu.memory_space<hbm>> -> memref<40x128xi32, #tpu.memory_space<hbm>>
      tpu.enqueue_dma source(%dma_start3A_27 : memref<40x128xi32, #tpu.memory_space<hbm>>) target(%arg8 : memref<40x128xi32, #tpu.memory_space<vmem>>) target_semaphore(%run_scoped3A : memref<!tpu.dma_semaphore, #tpu.memory_space<semaphore_mem>>)
      %dma_wait3A = arith.constant 0 : i32
      %dma_wait3A_28 = tpu.memref_slice %arg3[%add3A_8, %dma_wait3A] : memref<1280x128xi32, #tpu.memory_space<hbm>> -> memref<40x128xi32, #tpu.memory_space<hbm>>
      %dma_wait3A_29 = arith.constant 0 : i32
      %dma_wait3A_30 = tpu.memref_slice %arg3[%add3A_8, %dma_wait3A_29] : memref<1280x128xi32, #tpu.memory_space<hbm>> -> memref<40x128xi32, #tpu.memory_space<hbm>>
      tpu.wait_dma2 semaphore(%run_scoped3A : memref<!tpu.dma_semaphore, #tpu.memory_space<semaphore_mem>>) src(%dma_wait3A_30 : memref<40x128xi32, #tpu.memory_space<hbm>>) dst(%arg8 : memref<40x128xi32, #tpu.memory_space<vmem>>)
      tpu.yield
    }) : () -> ()
    "tpu.region"() ({
      %run_scoped3A = tpu.sem_alloc : memref<!tpu.dma_semaphore, #tpu.memory_space<semaphore_mem>>
      %dma_start3A = arith.constant 0 : i32
      %dma_start3A_25 = tpu.memref_slice %arg4[%add3A_8, %dma_start3A] : memref<1280x128xi32, #tpu.memory_space<hbm>> -> memref<40x128xi32, #tpu.memory_space<hbm>>
      %dma_start3A_26 = arith.constant 0 : i32
      %dma_start3A_27 = tpu.memref_slice %arg4[%add3A_8, %dma_start3A_26] : memref<1280x128xi32, #tpu.memory_space<hbm>> -> memref<40x128xi32, #tpu.memory_space<hbm>>
      tpu.enqueue_dma source(%dma_start3A_27 : memref<40x128xi32, #tpu.memory_space<hbm>>) target(%arg9 : memref<40x128xi32, #tpu.memory_space<vmem>>) target_semaphore(%run_scoped3A : memref<!tpu.dma_semaphore, #tpu.memory_space<semaphore_mem>>)
      %dma_wait3A = arith.constant 0 : i32
      %dma_wait3A_28 = tpu.memref_slice %arg4[%add3A_8, %dma_wait3A] : memref<1280x128xi32, #tpu.memory_space<hbm>> -> memref<40x128xi32, #tpu.memory_space<hbm>>
      %dma_wait3A_29 = arith.constant 0 : i32
      %dma_wait3A_30 = tpu.memref_slice %arg4[%add3A_8, %dma_wait3A_29] : memref<1280x128xi32, #tpu.memory_space<hbm>> -> memref<40x128xi32, #tpu.memory_space<hbm>>
      tpu.wait_dma2 semaphore(%run_scoped3A : memref<!tpu.dma_semaphore, #tpu.memory_space<semaphore_mem>>) src(%dma_wait3A_30 : memref<40x128xi32, #tpu.memory_space<hbm>>) dst(%arg9 : memref<40x128xi32, #tpu.memory_space<vmem>>)
      tpu.yield
    }) : () -> ()
    %while3A = arith.constant 0 : i32
    %while3A_11 = arith.constant 0 : i32
    %while3A_12 = arith.subi %select_n3A, %while3A_11 : i32
    %while3A_13 = arith.addi %while3A_11, %while3A_12 : i32
    %while3A_14 = arith.constant 1 : i32
    %while3A_15 = arith.divsi %while3A_12, %while3A_14 : i32
    %while3A_16 = arith.muli %while3A_15, %while3A_14 : i32
    %while3A_17 = arith.addi %while3A_11, %while3A_16 : i32
    %while3A_18 = arith.constant 1 : i32
    scf.for %while3A_25 = %while3A_11 to %while3A_17 step %while3A_18  : i32 {
      %dma_start3A = arith.constant 0 : i32
      %dma_start3A_26 = tpu.memref_slice %arg8[%while3A_25, %dma_start3A] : memref<40x128xi32, #tpu.memory_space<vmem>> -> memref<1x128xi32, #tpu.memory_space<vmem>>
      %dma_start3A_27 = tpu.memref_squeeze %dma_start3A_26 : memref<1x128xi32, #tpu.memory_space<vmem>> -> memref<128xi32, #tpu.memory_space<vmem>>
      %dma_start3A_28 = arith.constant 0 : i32
      %dma_start3A_29 = arith.constant 0 : i32
      %dma_start3A_30 = tpu.memref_slice %arg2[%dma_start3A_28, %dma_start3A_29] : memref<10000x144xf32, #tpu.memory_space<hbm>> -> memref<10000x144xf32, #tpu.memory_space<hbm>>
      tpu.enqueue_indirect_dma source(%dma_start3A_30 : memref<10000x144xf32, #tpu.memory_space<hbm>>) target(%arg10 : memref<128x144xf32, #tpu.memory_space<vmem>>) offsets(%dma_start3A_27 : memref<128xi32, #tpu.memory_space<vmem>>) semaphore(%arg11 : memref<!tpu.dma_semaphore, #tpu.memory_space<semaphore_mem>>)
      %dma_wait3A = arith.constant 0 : i32
      %dma_wait3A_31 = tpu.memref_slice %arg8[%while3A_25, %dma_wait3A] : memref<40x128xi32, #tpu.memory_space<vmem>> -> memref<1x128xi32, #tpu.memory_space<vmem>>
      %dma_wait3A_32 = tpu.memref_squeeze %dma_wait3A_31 : memref<1x128xi32, #tpu.memory_space<vmem>> -> memref<128xi32, #tpu.memory_space<vmem>>
      %dma_wait3A_33 = arith.constant 0 : i32
      %dma_wait3A_34 = arith.constant 0 : i32
      %dma_wait3A_35 = tpu.memref_slice %arg2[%dma_wait3A_33, %dma_wait3A_34] : memref<10000x144xf32, #tpu.memory_space<hbm>> -> memref<10000x144xf32, #tpu.memory_space<hbm>>
      tpu.wait_indirect_dma semaphore(%arg11 : memref<!tpu.dma_semaphore, #tpu.memory_space<semaphore_mem>>) src(%dma_wait3A_35 : memref<10000x144xf32, #tpu.memory_space<hbm>>) dst(%arg10 : memref<128x144xf32, #tpu.memory_space<vmem>>)
      "tpu.region"() ({
        %run_scoped3A = tpu.sem_alloc : memref<!tpu.dma_semaphore, #tpu.memory_space<semaphore_mem>>
        %dma_start3A_36 = arith.constant 0 : i32
        %dma_start3A_37 = tpu.memref_slice %arg9[%while3A_25, %dma_start3A_36] : memref<40x128xi32, #tpu.memory_space<vmem>> -> memref<1x128xi32, #tpu.memory_space<vmem>>
        %dma_start3A_38 = tpu.memref_squeeze %dma_start3A_37 : memref<1x128xi32, #tpu.memory_space<vmem>> -> memref<128xi32, #tpu.memory_space<vmem>>
        %dma_start3A_39 = arith.constant 0 : i32
        %dma_start3A_40 = arith.constant 0 : i32
        %dma_start3A_41 = tpu.memref_slice %arg7[%dma_start3A_39, %dma_start3A_40] : memref<10000x144xf32, #tpu.memory_space<vmem_shared>> -> memref<10000x144xf32, #tpu.memory_space<vmem_shared>>
        tpu.enqueue_indirect_dma source(%arg10 : memref<128x144xf32, #tpu.memory_space<vmem>>) target(%dma_start3A_41 : memref<10000x144xf32, #tpu.memory_space<vmem_shared>>) offsets(%dma_start3A_38 : memref<128xi32, #tpu.memory_space<vmem>>) semaphore(%run_scoped3A : memref<!tpu.dma_semaphore, #tpu.memory_space<semaphore_mem>>) {add = true}
        %dma_wait3A_42 = arith.constant 0 : i32
        %dma_wait3A_43 = tpu.memref_slice %arg9[%while3A_25, %dma_wait3A_42] : memref<40x128xi32, #tpu.memory_space<vmem>> -> memref<1x128xi32, #tpu.memory_space<vmem>>
        %dma_wait3A_44 = tpu.memref_squeeze %dma_wait3A_43 : memref<1x128xi32, #tpu.memory_space<vmem>> -> memref<128xi32, #tpu.memory_space<vmem>>
        %dma_wait3A_45 = arith.constant 0 : i32
        %dma_wait3A_46 = arith.constant 0 : i32
        %dma_wait3A_47 = tpu.memref_slice %arg7[%dma_wait3A_45, %dma_wait3A_46] : memref<10000x144xf32, #tpu.memory_space<vmem_shared>> -> memref<10000x144xf32, #tpu.memory_space<vmem_shared>>
        tpu.wait_indirect_dma semaphore(%run_scoped3A : memref<!tpu.dma_semaphore, #tpu.memory_space<semaphore_mem>>) src(%arg10 : memref<128x144xf32, #tpu.memory_space<vmem>>) dst(%dma_wait3A_47 : memref<10000x144xf32, #tpu.memory_space<vmem_shared>>)
        tpu.yield
      }) : () -> ()
    }
    %while3A_19 = arith.constant 1 : i32
    scf.for %while3A_25 = %while3A_17 to %while3A_13 step %while3A_19  : i32 {
      %dma_start3A = arith.constant 0 : i32
      %dma_start3A_26 = tpu.memref_slice %arg8[%while3A_25, %dma_start3A] : memref<40x128xi32, #tpu.memory_space<vmem>> -> memref<1x128xi32, #tpu.memory_space<vmem>>
      %dma_start3A_27 = tpu.memref_squeeze %dma_start3A_26 : memref<1x128xi32, #tpu.memory_space<vmem>> -> memref<128xi32, #tpu.memory_space<vmem>>
      %dma_start3A_28 = arith.constant 0 : i32
      %dma_start3A_29 = arith.constant 0 : i32
      %dma_start3A_30 = tpu.memref_slice %arg2[%dma_start3A_28, %dma_start3A_29] : memref<10000x144xf32, #tpu.memory_space<hbm>> -> memref<10000x144xf32, #tpu.memory_space<hbm>>
      tpu.enqueue_indirect_dma source(%dma_start3A_30 : memref<10000x144xf32, #tpu.memory_space<hbm>>) target(%arg10 : memref<128x144xf32, #tpu.memory_space<vmem>>) offsets(%dma_start3A_27 : memref<128xi32, #tpu.memory_space<vmem>>) semaphore(%arg11 : memref<!tpu.dma_semaphore, #tpu.memory_space<semaphore_mem>>)
      %dma_wait3A = arith.constant 0 : i32
      %dma_wait3A_31 = tpu.memref_slice %arg8[%while3A_25, %dma_wait3A] : memref<40x128xi32, #tpu.memory_space<vmem>> -> memref<1x128xi32, #tpu.memory_space<vmem>>
      %dma_wait3A_32 = tpu.memref_squeeze %dma_wait3A_31 : memref<1x128xi32, #tpu.memory_space<vmem>> -> memref<128xi32, #tpu.memory_space<vmem>>
      %dma_wait3A_33 = arith.constant 0 : i32
      %dma_wait3A_34 = arith.constant 0 : i32
      %dma_wait3A_35 = tpu.memref_slice %arg2[%dma_wait3A_33, %dma_wait3A_34] : memref<10000x144xf32, #tpu.memory_space<hbm>> -> memref<10000x144xf32, #tpu.memory_space<hbm>>
      tpu.wait_indirect_dma semaphore(%arg11 : memref<!tpu.dma_semaphore, #tpu.memory_space<semaphore_mem>>) src(%dma_wait3A_35 : memref<10000x144xf32, #tpu.memory_space<hbm>>) dst(%arg10 : memref<128x144xf32, #tpu.memory_space<vmem>>)
      "tpu.region"() ({
        %run_scoped3A = tpu.sem_alloc : memref<!tpu.dma_semaphore, #tpu.memory_space<semaphore_mem>>
        %dma_start3A_36 = arith.constant 0 : i32
        %dma_start3A_37 = tpu.memref_slice %arg9[%while3A_25, %dma_start3A_36] : memref<40x128xi32, #tpu.memory_space<vmem>> -> memref<1x128xi32, #tpu.memory_space<vmem>>
        %dma_start3A_38 = tpu.memref_squeeze %dma_start3A_37 : memref<1x128xi32, #tpu.memory_space<vmem>> -> memref<128xi32, #tpu.memory_space<vmem>>
        %dma_start3A_39 = arith.constant 0 : i32
        %dma_start3A_40 = arith.constant 0 : i32
        %dma_start3A_41 = tpu.memref_slice %arg7[%dma_start3A_39, %dma_start3A_40] : memref<10000x144xf32, #tpu.memory_space<vmem_shared>> -> memref<10000x144xf32, #tpu.memory_space<vmem_shared>>
        tpu.enqueue_indirect_dma source(%arg10 : memref<128x144xf32, #tpu.memory_space<vmem>>) target(%dma_start3A_41 : memref<10000x144xf32, #tpu.memory_space<vmem_shared>>) offsets(%dma_start3A_38 : memref<128xi32, #tpu.memory_space<vmem>>) semaphore(%run_scoped3A : memref<!tpu.dma_semaphore, #tpu.memory_space<semaphore_mem>>) {add = true}
        %dma_wait3A_42 = arith.constant 0 : i32
        %dma_wait3A_43 = tpu.memref_slice %arg9[%while3A_25, %dma_wait3A_42] : memref<40x128xi32, #tpu.memory_space<vmem>> -> memref<1x128xi32, #tpu.memory_space<vmem>>
        %dma_wait3A_44 = tpu.memref_squeeze %dma_wait3A_43 : memref<1x128xi32, #tpu.memory_space<vmem>> -> memref<128xi32, #tpu.memory_space<vmem>>
        %dma_wait3A_45 = arith.constant 0 : i32
        %dma_wait3A_46 = arith.constant 0 : i32
        %dma_wait3A_47 = tpu.memref_slice %arg7[%dma_wait3A_45, %dma_wait3A_46] : memref<10000x144xf32, #tpu.memory_space<vmem_shared>> -> memref<10000x144xf32, #tpu.memory_space<vmem_shared>>
        tpu.wait_indirect_dma semaphore(%run_scoped3A : memref<!tpu.dma_semaphore, #tpu.memory_space<semaphore_mem>>) src(%arg10 : memref<128x144xf32, #tpu.memory_space<vmem>>) dst(%dma_wait3A_47 : memref<10000x144xf32, #tpu.memory_space<vmem_shared>>)
        tpu.yield
      }) : () -> ()
    }
    %barrier3A_20 = arith.constant 0 : index
    tpu.barrier barrier_id(%barrier3A_20)
    %mul3A_21 = arith.constant 625 : i32
    %mul3A_22 = arith.muli %arg1, %mul3A_21 : i32
    %mul3A_23 = arith.constant 625 : i32
    %mul3A_24 = arith.muli %arg1, %mul3A_23 : i32
    "tpu.region"() ({
      %run_scoped3A = tpu.sem_alloc : memref<!tpu.dma_semaphore, #tpu.memory_space<semaphore_mem>>
      %dma_start3A = arith.constant 0 : i32
      %dma_start3A_25 = tpu.memref_slice %arg6[%arg0, %mul3A_24, %dma_start3A] : memref<2x10000x144xf32, #tpu.memory_space<hbm>> -> memref<1x625x144xf32, #tpu.memory_space<hbm>>
      %dma_start3A_26 = tpu.memref_squeeze %dma_start3A_25 : memref<1x625x144xf32, #tpu.memory_space<hbm>> -> memref<625x144xf32, #tpu.memory_space<hbm>>
      %dma_start3A_27 = arith.constant 0 : i32
      %dma_start3A_28 = tpu.memref_slice %arg7[%mul3A_22, %dma_start3A_27] : memref<10000x144xf32, #tpu.memory_space<vmem_shared>> -> memref<625x144xf32, #tpu.memory_space<vmem_shared>>
      tpu.enqueue_dma source(%dma_start3A_28 : memref<625x144xf32, #tpu.memory_space<vmem_shared>>) target(%dma_start3A_26 : memref<625x144xf32, #tpu.memory_space<hbm>>) target_semaphore(%run_scoped3A : memref<!tpu.dma_semaphore, #tpu.memory_space<semaphore_mem>>)
      %dma_wait3A = arith.constant 0 : i32
      %dma_wait3A_29 = tpu.memref_slice %arg6[%arg0, %mul3A_24, %dma_wait3A] : memref<2x10000x144xf32, #tpu.memory_space<hbm>> -> memref<1x625x144xf32, #tpu.memory_space<hbm>>
      %dma_wait3A_30 = tpu.memref_squeeze %dma_wait3A_29 : memref<1x625x144xf32, #tpu.memory_space<hbm>> -> memref<625x144xf32, #tpu.memory_space<hbm>>
      %dma_wait3A_31 = arith.constant 0 : i32
      %dma_wait3A_32 = tpu.memref_slice %arg7[%mul3A_22, %dma_wait3A_31] : memref<10000x144xf32, #tpu.memory_space<vmem_shared>> -> memref<625x144xf32, #tpu.memory_space<vmem_shared>>
      tpu.wait_dma2 semaphore(%run_scoped3A : memref<!tpu.dma_semaphore, #tpu.memory_space<semaphore_mem>>) src(%dma_wait3A_32 : memref<625x144xf32, #tpu.memory_space<vmem_shared>>) dst(%dma_wait3A_30 : memref<625x144xf32, #tpu.memory_space<hbm>>)
      tpu.yield
    }) : () -> ()
    return
  }
}

#map = affine_map<(d0, d1) -> (0, 0)>
#map1 = affine_map<(d0, d1) -> (0, 0, 0)>
module attributes {stable_mosaic.version = 14 : i64} {
  func.func @_sc_body(%arg0: i32, %arg1: i32, %arg2: memref<10000x144xf32, #tpu.memory_space<hbm>>, %arg3: memref<1280x128xi32, #tpu.memory_space<hbm>>, %arg4: memref<1280x128xi32, #tpu.memory_space<hbm>>, %arg5: memref<10000x144xf32, #tpu.memory_space<hbm>>, %arg6: memref<2x10000x144xf32, #tpu.memory_space<hbm>>, %arg7: memref<10000x144xf32, #tpu.memory_space<vmem_shared>>, %arg8: memref<40x128xi32, #tpu.memory_space<vmem>>, %arg9: memref<40x128xi32, #tpu.memory_space<vmem>>, %arg10: memref<128x144xf32, #tpu.memory_space<vmem>>, %arg11: memref<!tpu.dma_semaphore, #tpu.memory_space<semaphore_mem>>) attributes {dimension_semantics = [#tpu.dimension_semantics<core_parallel>, #tpu.dimension_semantics<subcore_parallel>], iteration_bounds = array<i64: 2, 16>, scalar_prefetch = 0 : i64, scratch_operands = 5 : i64, tpu.core_type = #tpu.core_type<sc_vector_subcore>, window_params = [{transform_indices = #map}, {transform_indices = #map}, {transform_indices = #map}, {transform_indices = #map}, {transform_indices = #map1}]} {
    %mul3A = arith.constant 2 : i32
    %mul3A_0 = arith.muli %arg1, %mul3A : i32
    %add3A = arith.addi %mul3A_0, %arg0 : i32
    %mul3A_1 = arith.constant 625 : i32
    %mul3A_2 = arith.muli %arg1, %mul3A_1 : i32
    %mul3A_3 = arith.constant 625 : i32
    %mul3A_4 = arith.muli %arg1, %mul3A_3 : i32
    "tpu.region"() ({
      %run_scoped3A = tpu.sem_alloc : memref<!tpu.dma_semaphore, #tpu.memory_space<semaphore_mem>>
      %dma_start3A = arith.constant 0 : i32
      %dma_start3A_25 = tpu.memref_slice %arg7[%mul3A_4, %dma_start3A] : memref<10000x144xf32, #tpu.memory_space<vmem_shared>> -> memref<625x144xf32, #tpu.memory_space<vmem_shared>>
      %dma_start3A_26 = arith.constant 0 : i32
      %dma_start3A_27 = tpu.memref_slice %arg5[%mul3A_2, %dma_start3A_26] : memref<10000x144xf32, #tpu.memory_space<hbm>> -> memref<625x144xf32, #tpu.memory_space<hbm>>
      tpu.enqueue_dma source(%dma_start3A_27 : memref<625x144xf32, #tpu.memory_space<hbm>>) target(%dma_start3A_25 : memref<625x144xf32, #tpu.memory_space<vmem_shared>>) target_semaphore(%run_scoped3A : memref<!tpu.dma_semaphore, #tpu.memory_space<semaphore_mem>>)
      %dma_wait3A = arith.constant 0 : i32
      %dma_wait3A_28 = tpu.memref_slice %arg7[%mul3A_4, %dma_wait3A] : memref<10000x144xf32, #tpu.memory_space<vmem_shared>> -> memref<625x144xf32, #tpu.memory_space<vmem_shared>>
      %dma_wait3A_29 = arith.constant 0 : i32
      %dma_wait3A_30 = tpu.memref_slice %arg5[%mul3A_2, %dma_wait3A_29] : memref<10000x144xf32, #tpu.memory_space<hbm>> -> memref<625x144xf32, #tpu.memory_space<hbm>>
      tpu.wait_dma2 semaphore(%run_scoped3A : memref<!tpu.dma_semaphore, #tpu.memory_space<semaphore_mem>>) src(%dma_wait3A_30 : memref<625x144xf32, #tpu.memory_space<hbm>>) dst(%dma_wait3A_28 : memref<625x144xf32, #tpu.memory_space<vmem_shared>>)
      tpu.yield
    }) : () -> ()
    %barrier3A = arith.constant 0 : index
    tpu.barrier barrier_id(%barrier3A)
    %mul3A_5 = arith.constant 39 : i32
    %mul3A_6 = arith.muli %mul3A_5, %add3A : i32
    %min3A = arith.constant 2 : i32
    %min3A_7 = arith.minsi %add3A, %min3A : i32
    %add3A_8 = arith.addi %mul3A_6, %min3A_7 : i32
    %lt3A = arith.constant 2 : i32
    %lt3A_9 = arith.cmpi slt, %add3A, %lt3A : i32
    %jit3A = arith.constant 40 : i32
    %jit3A_10 = arith.constant 39 : i32
    %select_n3A = arith.select %lt3A_9, %jit3A, %jit3A_10 : i32
    "tpu.region"() ({
      %run_scoped3A = tpu.sem_alloc : memref<!tpu.dma_semaphore, #tpu.memory_space<semaphore_mem>>
      %dma_start3A = arith.constant 0 : i32
      %dma_start3A_25 = tpu.memref_slice %arg3[%add3A_8, %dma_start3A] : memref<1280x128xi32, #tpu.memory_space<hbm>> -> memref<40x128xi32, #tpu.memory_space<hbm>>
      %dma_start3A_26 = arith.constant 0 : i32
      %dma_start3A_27 = tpu.memref_slice %arg3[%add3A_8, %dma_start3A_26] : memref<1280x128xi32, #tpu.memory_space<hbm>> -> memref<40x128xi32, #tpu.memory_space<hbm>>
      tpu.enqueue_dma source(%dma_start3A_27 : memref<40x128xi32, #tpu.memory_space<hbm>>) target(%arg8 : memref<40x128xi32, #tpu.memory_space<vmem>>) target_semaphore(%run_scoped3A : memref<!tpu.dma_semaphore, #tpu.memory_space<semaphore_mem>>)
      %dma_wait3A = arith.constant 0 : i32
      %dma_wait3A_28 = tpu.memref_slice %arg3[%add3A_8, %dma_wait3A] : memref<1280x128xi32, #tpu.memory_space<hbm>> -> memref<40x128xi32, #tpu.memory_space<hbm>>
      %dma_wait3A_29 = arith.constant 0 : i32
      %dma_wait3A_30 = tpu.memref_slice %arg3[%add3A_8, %dma_wait3A_29] : memref<1280x128xi32, #tpu.memory_space<hbm>> -> memref<40x128xi32, #tpu.memory_space<hbm>>
      tpu.wait_dma2 semaphore(%run_scoped3A : memref<!tpu.dma_semaphore, #tpu.memory_space<semaphore_mem>>) src(%dma_wait3A_30 : memref<40x128xi32, #tpu.memory_space<hbm>>) dst(%arg8 : memref<40x128xi32, #tpu.memory_space<vmem>>)
      tpu.yield
    }) : () -> ()
    "tpu.region"() ({
      %run_scoped3A = tpu.sem_alloc : memref<!tpu.dma_semaphore, #tpu.memory_space<semaphore_mem>>
      %dma_start3A = arith.constant 0 : i32
      %dma_start3A_25 = tpu.memref_slice %arg4[%add3A_8, %dma_start3A] : memref<1280x128xi32, #tpu.memory_space<hbm>> -> memref<40x128xi32, #tpu.memory_space<hbm>>
      %dma_start3A_26 = arith.constant 0 : i32
      %dma_start3A_27 = tpu.memref_slice %arg4[%add3A_8, %dma_start3A_26] : memref<1280x128xi32, #tpu.memory_space<hbm>> -> memref<40x128xi32, #tpu.memory_space<hbm>>
      tpu.enqueue_dma source(%dma_start3A_27 : memref<40x128xi32, #tpu.memory_space<hbm>>) target(%arg9 : memref<40x128xi32, #tpu.memory_space<vmem>>) target_semaphore(%run_scoped3A : memref<!tpu.dma_semaphore, #tpu.memory_space<semaphore_mem>>)
      %dma_wait3A = arith.constant 0 : i32
      %dma_wait3A_28 = tpu.memref_slice %arg4[%add3A_8, %dma_wait3A] : memref<1280x128xi32, #tpu.memory_space<hbm>> -> memref<40x128xi32, #tpu.memory_space<hbm>>
      %dma_wait3A_29 = arith.constant 0 : i32
      %dma_wait3A_30 = tpu.memref_slice %arg4[%add3A_8, %dma_wait3A_29] : memref<1280x128xi32, #tpu.memory_space<hbm>> -> memref<40x128xi32, #tpu.memory_space<hbm>>
      tpu.wait_dma2 semaphore(%run_scoped3A : memref<!tpu.dma_semaphore, #tpu.memory_space<semaphore_mem>>) src(%dma_wait3A_30 : memref<40x128xi32, #tpu.memory_space<hbm>>) dst(%arg9 : memref<40x128xi32, #tpu.memory_space<vmem>>)
      tpu.yield
    }) : () -> ()
    %while3A = arith.constant 0 : i32
    %while3A_11 = arith.constant 0 : i32
    %while3A_12 = arith.subi %select_n3A, %while3A_11 : i32
    %while3A_13 = arith.addi %while3A_11, %while3A_12 : i32
    %while3A_14 = arith.constant 1 : i32
    %while3A_15 = arith.divsi %while3A_12, %while3A_14 : i32
    %while3A_16 = arith.muli %while3A_15, %while3A_14 : i32
    %while3A_17 = arith.addi %while3A_11, %while3A_16 : i32
    %while3A_18 = arith.constant 1 : i32
    scf.for %while3A_25 = %while3A_11 to %while3A_17 step %while3A_18  : i32 {
      %dma_start3A = arith.constant 0 : i32
      %dma_start3A_26 = tpu.memref_slice %arg8[%while3A_25, %dma_start3A] : memref<40x128xi32, #tpu.memory_space<vmem>> -> memref<1x128xi32, #tpu.memory_space<vmem>>
      %dma_start3A_27 = tpu.memref_squeeze %dma_start3A_26 : memref<1x128xi32, #tpu.memory_space<vmem>> -> memref<128xi32, #tpu.memory_space<vmem>>
      %dma_start3A_28 = arith.constant 0 : i32
      %dma_start3A_29 = arith.constant 0 : i32
      %dma_start3A_30 = tpu.memref_slice %arg2[%dma_start3A_28, %dma_start3A_29] : memref<10000x144xf32, #tpu.memory_space<hbm>> -> memref<10000x144xf32, #tpu.memory_space<hbm>>
      tpu.enqueue_indirect_dma source(%dma_start3A_30 : memref<10000x144xf32, #tpu.memory_space<hbm>>) target(%arg10 : memref<128x144xf32, #tpu.memory_space<vmem>>) offsets(%dma_start3A_27 : memref<128xi32, #tpu.memory_space<vmem>>) semaphore(%arg11 : memref<!tpu.dma_semaphore, #tpu.memory_space<semaphore_mem>>)
      %dma_wait3A = arith.constant 0 : i32
      %dma_wait3A_31 = tpu.memref_slice %arg8[%while3A_25, %dma_wait3A] : memref<40x128xi32, #tpu.memory_space<vmem>> -> memref<1x128xi32, #tpu.memory_space<vmem>>
      %dma_wait3A_32 = tpu.memref_squeeze %dma_wait3A_31 : memref<1x128xi32, #tpu.memory_space<vmem>> -> memref<128xi32, #tpu.memory_space<vmem>>
      %dma_wait3A_33 = arith.constant 0 : i32
      %dma_wait3A_34 = arith.constant 0 : i32
      %dma_wait3A_35 = tpu.memref_slice %arg2[%dma_wait3A_33, %dma_wait3A_34] : memref<10000x144xf32, #tpu.memory_space<hbm>> -> memref<10000x144xf32, #tpu.memory_space<hbm>>
      tpu.wait_indirect_dma semaphore(%arg11 : memref<!tpu.dma_semaphore, #tpu.memory_space<semaphore_mem>>) src(%dma_wait3A_35 : memref<10000x144xf32, #tpu.memory_space<hbm>>) dst(%arg10 : memref<128x144xf32, #tpu.memory_space<vmem>>)
      "tpu.region"() ({
        %run_scoped3A = tpu.sem_alloc : memref<!tpu.dma_semaphore, #tpu.memory_space<semaphore_mem>>
        %dma_start3A_36 = arith.constant 0 : i32
        %dma_start3A_37 = tpu.memref_slice %arg9[%while3A_25, %dma_start3A_36] : memref<40x128xi32, #tpu.memory_space<vmem>> -> memref<1x128xi32, #tpu.memory_space<vmem>>
        %dma_start3A_38 = tpu.memref_squeeze %dma_start3A_37 : memref<1x128xi32, #tpu.memory_space<vmem>> -> memref<128xi32, #tpu.memory_space<vmem>>
        %dma_start3A_39 = arith.constant 0 : i32
        %dma_start3A_40 = arith.constant 0 : i32
        %dma_start3A_41 = tpu.memref_slice %arg7[%dma_start3A_39, %dma_start3A_40] : memref<10000x144xf32, #tpu.memory_space<vmem_shared>> -> memref<10000x144xf32, #tpu.memory_space<vmem_shared>>
        tpu.enqueue_indirect_dma source(%arg10 : memref<128x144xf32, #tpu.memory_space<vmem>>) target(%dma_start3A_41 : memref<10000x144xf32, #tpu.memory_space<vmem_shared>>) offsets(%dma_start3A_38 : memref<128xi32, #tpu.memory_space<vmem>>) semaphore(%run_scoped3A : memref<!tpu.dma_semaphore, #tpu.memory_space<semaphore_mem>>) {add = true}
        %dma_wait3A_42 = arith.constant 0 : i32
        %dma_wait3A_43 = tpu.memref_slice %arg9[%while3A_25, %dma_wait3A_42] : memref<40x128xi32, #tpu.memory_space<vmem>> -> memref<1x128xi32, #tpu.memory_space<vmem>>
        %dma_wait3A_44 = tpu.memref_squeeze %dma_wait3A_43 : memref<1x128xi32, #tpu.memory_space<vmem>> -> memref<128xi32, #tpu.memory_space<vmem>>
        %dma_wait3A_45 = arith.constant 0 : i32
        %dma_wait3A_46 = arith.constant 0 : i32
        %dma_wait3A_47 = tpu.memref_slice %arg7[%dma_wait3A_45, %dma_wait3A_46] : memref<10000x144xf32, #tpu.memory_space<vmem_shared>> -> memref<10000x144xf32, #tpu.memory_space<vmem_shared>>
        tpu.wait_indirect_dma semaphore(%run_scoped3A : memref<!tpu.dma_semaphore, #tpu.memory_space<semaphore_mem>>) src(%arg10 : memref<128x144xf32, #tpu.memory_space<vmem>>) dst(%dma_wait3A_47 : memref<10000x144xf32, #tpu.memory_space<vmem_shared>>)
        tpu.yield
      }) : () -> ()
    }
    %while3A_19 = arith.constant 1 : i32
    scf.for %while3A_25 = %while3A_17 to %while3A_13 step %while3A_19  : i32 {
      %dma_start3A = arith.constant 0 : i32
      %dma_start3A_26 = tpu.memref_slice %arg8[%while3A_25, %dma_start3A] : memref<40x128xi32, #tpu.memory_space<vmem>> -> memref<1x128xi32, #tpu.memory_space<vmem>>
      %dma_start3A_27 = tpu.memref_squeeze %dma_start3A_26 : memref<1x128xi32, #tpu.memory_space<vmem>> -> memref<128xi32, #tpu.memory_space<vmem>>
      %dma_start3A_28 = arith.constant 0 : i32
      %dma_start3A_29 = arith.constant 0 : i32
      %dma_start3A_30 = tpu.memref_slice %arg2[%dma_start3A_28, %dma_start3A_29] : memref<10000x144xf32, #tpu.memory_space<hbm>> -> memref<10000x144xf32, #tpu.memory_space<hbm>>
      tpu.enqueue_indirect_dma source(%dma_start3A_30 : memref<10000x144xf32, #tpu.memory_space<hbm>>) target(%arg10 : memref<128x144xf32, #tpu.memory_space<vmem>>) offsets(%dma_start3A_27 : memref<128xi32, #tpu.memory_space<vmem>>) semaphore(%arg11 : memref<!tpu.dma_semaphore, #tpu.memory_space<semaphore_mem>>)
      %dma_wait3A = arith.constant 0 : i32
      %dma_wait3A_31 = tpu.memref_slice %arg8[%while3A_25, %dma_wait3A] : memref<40x128xi32, #tpu.memory_space<vmem>> -> memref<1x128xi32, #tpu.memory_space<vmem>>
      %dma_wait3A_32 = tpu.memref_squeeze %dma_wait3A_31 : memref<1x128xi32, #tpu.memory_space<vmem>> -> memref<128xi32, #tpu.memory_space<vmem>>
      %dma_wait3A_33 = arith.constant 0 : i32
      %dma_wait3A_34 = arith.constant 0 : i32
      %dma_wait3A_35 = tpu.memref_slice %arg2[%dma_wait3A_33, %dma_wait3A_34] : memref<10000x144xf32, #tpu.memory_space<hbm>> -> memref<10000x144xf32, #tpu.memory_space<hbm>>
      tpu.wait_indirect_dma semaphore(%arg11 : memref<!tpu.dma_semaphore, #tpu.memory_space<semaphore_mem>>) src(%dma_wait3A_35 : memref<10000x144xf32, #tpu.memory_space<hbm>>) dst(%arg10 : memref<128x144xf32, #tpu.memory_space<vmem>>)
      "tpu.region"() ({
        %run_scoped3A = tpu.sem_alloc : memref<!tpu.dma_semaphore, #tpu.memory_space<semaphore_mem>>
        %dma_start3A_36 = arith.constant 0 : i32
        %dma_start3A_37 = tpu.memref_slice %arg9[%while3A_25, %dma_start3A_36] : memref<40x128xi32, #tpu.memory_space<vmem>> -> memref<1x128xi32, #tpu.memory_space<vmem>>
        %dma_start3A_38 = tpu.memref_squeeze %dma_start3A_37 : memref<1x128xi32, #tpu.memory_space<vmem>> -> memref<128xi32, #tpu.memory_space<vmem>>
        %dma_start3A_39 = arith.constant 0 : i32
        %dma_start3A_40 = arith.constant 0 : i32
        %dma_start3A_41 = tpu.memref_slice %arg7[%dma_start3A_39, %dma_start3A_40] : memref<10000x144xf32, #tpu.memory_space<vmem_shared>> -> memref<10000x144xf32, #tpu.memory_space<vmem_shared>>
        tpu.enqueue_indirect_dma source(%arg10 : memref<128x144xf32, #tpu.memory_space<vmem>>) target(%dma_start3A_41 : memref<10000x144xf32, #tpu.memory_space<vmem_shared>>) offsets(%dma_start3A_38 : memref<128xi32, #tpu.memory_space<vmem>>) semaphore(%run_scoped3A : memref<!tpu.dma_semaphore, #tpu.memory_space<semaphore_mem>>) {add = true}
        %dma_wait3A_42 = arith.constant 0 : i32
        %dma_wait3A_43 = tpu.memref_slice %arg9[%while3A_25, %dma_wait3A_42] : memref<40x128xi32, #tpu.memory_space<vmem>> -> memref<1x128xi32, #tpu.memory_space<vmem>>
        %dma_wait3A_44 = tpu.memref_squeeze %dma_wait3A_43 : memref<1x128xi32, #tpu.memory_space<vmem>> -> memref<128xi32, #tpu.memory_space<vmem>>
        %dma_wait3A_45 = arith.constant 0 : i32
        %dma_wait3A_46 = arith.constant 0 : i32
        %dma_wait3A_47 = tpu.memref_slice %arg7[%dma_wait3A_45, %dma_wait3A_46] : memref<10000x144xf32, #tpu.memory_space<vmem_shared>> -> memref<10000x144xf32, #tpu.memory_space<vmem_shared>>
        tpu.wait_indirect_dma semaphore(%run_scoped3A : memref<!tpu.dma_semaphore, #tpu.memory_space<semaphore_mem>>) src(%arg10 : memref<128x144xf32, #tpu.memory_space<vmem>>) dst(%dma_wait3A_47 : memref<10000x144xf32, #tpu.memory_space<vmem_shared>>)
        tpu.yield
      }) : () -> ()
    }
    %barrier3A_20 = arith.constant 0 : index
    tpu.barrier barrier_id(%barrier3A_20)
    %mul3A_21 = arith.constant 625 : i32
    %mul3A_22 = arith.muli %arg1, %mul3A_21 : i32
    %mul3A_23 = arith.constant 625 : i32
    %mul3A_24 = arith.muli %arg1, %mul3A_23 : i32
    "tpu.region"() ({
      %run_scoped3A = tpu.sem_alloc : memref<!tpu.dma_semaphore, #tpu.memory_space<semaphore_mem>>
      %dma_start3A = arith.constant 0 : i32
      %dma_start3A_25 = tpu.memref_slice %arg6[%arg0, %mul3A_24, %dma_start3A] : memref<2x10000x144xf32, #tpu.memory_space<hbm>> -> memref<1x625x144xf32, #tpu.memory_space<hbm>>
      %dma_start3A_26 = tpu.memref_squeeze %dma_start3A_25 : memref<1x625x144xf32, #tpu.memory_space<hbm>> -> memref<625x144xf32, #tpu.memory_space<hbm>>
      %dma_start3A_27 = arith.constant 0 : i32
      %dma_start3A_28 = tpu.memref_slice %arg7[%mul3A_22, %dma_start3A_27] : memref<10000x144xf32, #tpu.memory_space<vmem_shared>> -> memref<625x144xf32, #tpu.memory_space<vmem_shared>>
      tpu.enqueue_dma source(%dma_start3A_28 : memref<625x144xf32, #tpu.memory_space<vmem_shared>>) target(%dma_start3A_26 : memref<625x144xf32, #tpu.memory_space<hbm>>) target_semaphore(%run_scoped3A : memref<!tpu.dma_semaphore, #tpu.memory_space<semaphore_mem>>)
      %dma_wait3A = arith.constant 0 : i32
      %dma_wait3A_29 = tpu.memref_slice %arg6[%arg0, %mul3A_24, %dma_wait3A] : memref<2x10000x144xf32, #tpu.memory_space<hbm>> -> memref<1x625x144xf32, #tpu.memory_space<hbm>>
      %dma_wait3A_30 = tpu.memref_squeeze %dma_wait3A_29 : memref<1x625x144xf32, #tpu.memory_space<hbm>> -> memref<625x144xf32, #tpu.memory_space<hbm>>
      %dma_wait3A_31 = arith.constant 0 : i32
      %dma_wait3A_32 = tpu.memref_slice %arg7[%mul3A_22, %dma_wait3A_31] : memref<10000x144xf32, #tpu.memory_space<vmem_shared>> -> memref<625x144xf32, #tpu.memory_space<vmem_shared>>
      tpu.wait_dma2 semaphore(%run_scoped3A : memref<!tpu.dma_semaphore, #tpu.memory_space<semaphore_mem>>) src(%dma_wait3A_32 : memref<625x144xf32, #tpu.memory_space<vmem_shared>>) dst(%dma_wait3A_30 : memref<625x144xf32, #tpu.memory_space<hbm>>)
      tpu.yield
    }) : () -> ()
    return
  }
}

module attributes {stable_mosaic.version = 14 : i64} {
  func.func @_prep1_body(%arg0: i32, %arg1: memref<1000x128xf32, #tpu.memory_space<vmem>>, %arg2: memref<128x128xf32, #tpu.memory_space<vmem>>, %arg3: memref<1x128xf32, #tpu.memory_space<vmem>>, %arg4: memref<128x128xf32, #tpu.memory_space<vmem>>, %arg5: memref<1000x128xf32, #tpu.memory_space<vmem>>, %arg6: memref<1000x144xf32, #tpu.memory_space<vmem>>) attributes {dimension_semantics = [#tpu.dimension_semantics<arbitrary>], iteration_bounds = array<i64: 10>, scalar_prefetch = 0 : i64, scratch_operands = 0 : i64, tpu.core_type = #tpu.core_type<tc>, window_params = [{transform_indices = @transform_0, window_bounds = array<i64: 1000, 128>}, {pipeline_mode = #tpu.pipeline_mode<synchronous>, transform_indices = @transform_1, window_bounds = array<i64: 128, 128>}, {pipeline_mode = #tpu.pipeline_mode<synchronous>, transform_indices = @transform_2, window_bounds = array<i64: 1, 128>}, {pipeline_mode = #tpu.pipeline_mode<synchronous>, transform_indices = @transform_3, window_bounds = array<i64: 128, 128>}, {transform_indices = @transform_4, window_bounds = array<i64: 1000, 128>}, {transform_indices = @transform_5, window_bounds = array<i64: 1000, 144>}]} {
    %get3A = arith.constant 0 : index
    %get3A_0 = arith.constant 0 : index
    %get3A_1 = vector.load %arg1[%get3A, %get3A_0] : memref<1000x128xf32, #tpu.memory_space<vmem>>, vector<1000x128xf32>
    %get3A_2 = arith.constant 0 : index
    %get3A_3 = arith.constant 0 : index
    %get3A_4 = vector.load %arg2[%get3A_2, %get3A_3] : memref<128x128xf32, #tpu.memory_space<vmem>>, vector<128x128xf32>
    %dot_general3A = arith.constant dense<0.000000e+00> : vector<1000x128xf32>
    %dot_general3A_5 = tpu.matmul %get3A_1, %get3A_4, %dot_general3A {dimension_numbers = #tpu.dot_dimension_numbers<[1], [0], [0], [1], [0, 0, 1, 1], [], []>, transpose_lhs_hint = false} : vector<1000x128xf32>, vector<128x128xf32>, vector<1000x128xf32> -> vector<1000x128xf32>
    %get3A_6 = arith.constant 0 : index
    %get3A_7 = arith.constant 0 : index
    %get3A_8 = vector.load %arg3[%get3A_6, %get3A_7] : memref<1x128xf32, #tpu.memory_space<vmem>>, vector<1x128xf32>
    %add3A = vector.broadcast %get3A_8 : vector<1x128xf32> to vector<1000x128xf32>
    %add3A_9 = arith.addf %dot_general3A_5, %add3A : vector<1000x128xf32>
    %swap3A = arith.constant 0 : index
    %swap3A_10 = arith.constant 0 : index
    %swap3A_11 = vector.load %arg5[%swap3A, %swap3A_10] : memref<1000x128xf32, #tpu.memory_space<vmem>>, vector<1000x128xf32>
    tpu.vector_store %arg5[%swap3A, %swap3A_10], %add3A_9 {strides = array<i32>} : memref<1000x128xf32, #tpu.memory_space<vmem>>, vector<1000x128xf32>,
    %get3A_12 = arith.constant 0 : index
    %get3A_13 = arith.constant 0 : index
    %get3A_14 = vector.load %arg4[%get3A_12, %get3A_13] : memref<128x128xf32, #tpu.memory_space<vmem>>, vector<128x128xf32>
    %dot_general3A_15 = arith.constant dense<0.000000e+00> : vector<1000x128xf32>
    %dot_general3A_16 = tpu.matmul %get3A_1, %get3A_14, %dot_general3A_15 {dimension_numbers = #tpu.dot_dimension_numbers<[1], [0], [0], [1], [0, 0, 1, 1], [], []>, transpose_lhs_hint = false} : vector<1000x128xf32>, vector<128x128xf32>, vector<1000x128xf32> -> vector<1000x128xf32>
    %broadcast_in_dim3A = arith.constant 1.000000e+00 : f32
    %broadcast_in_dim3A_17 = vector.broadcast %broadcast_in_dim3A : f32 to vector<1000x16xf32>
    %concatenate3A = tpu.concatenate %dot_general3A_16, %broadcast_in_dim3A_17 in 1 : vector<1000x128xf32>, vector<1000x16xf32> -> vector<1000x144xf32>
    %swap3A_18 = arith.constant 0 : index
    %swap3A_19 = arith.constant 0 : index
    %swap3A_20 = vector.load %arg6[%swap3A_18, %swap3A_19] : memref<1000x144xf32, #tpu.memory_space<vmem>>, vector<1000x144xf32>
    tpu.vector_store %arg6[%swap3A_18, %swap3A_19], %concatenate3A {strides = array<i32>} : memref<1000x144xf32, #tpu.memory_space<vmem>>, vector<1000x144xf32>,
    return
  }
  func.func @transform_0(%arg0: i32) -> (i32, i32) {
    %c0_i32 = arith.constant 0 : i32
    %c0_i32_0 = arith.constant 0 : i32
    return %arg0, %c0_i32 : i32, i32
  }
  func.func @transform_1(%arg0: i32) -> (i32, i32) {
    %c0_i32 = arith.constant 0 : i32
    %c0_i32_0 = arith.constant 0 : i32
    %c0_i32_1 = arith.constant 0 : i32
    return %c0_i32, %c0_i32_0 : i32, i32
  }
  func.func @transform_2(%arg0: i32) -> (i32, i32) {
    %c0_i32 = arith.constant 0 : i32
    %c0_i32_0 = arith.constant 0 : i32
    %c0_i32_1 = arith.constant 0 : i32
    return %c0_i32, %c0_i32_0 : i32, i32
  }
  func.func @transform_3(%arg0: i32) -> (i32, i32) {
    %c0_i32 = arith.constant 0 : i32
    %c0_i32_0 = arith.constant 0 : i32
    %c0_i32_1 = arith.constant 0 : i32
    return %c0_i32, %c0_i32_0 : i32, i32
  }
  func.func @transform_4(%arg0: i32) -> (i32, i32) {
    %c0_i32 = arith.constant 0 : i32
    %c0_i32_0 = arith.constant 0 : i32
    return %arg0, %c0_i32 : i32, i32
  }
  func.func @transform_5(%arg0: i32) -> (i32, i32) {
    %c0_i32 = arith.constant 0 : i32
    %c0_i32_0 = arith.constant 0 : i32
    return %arg0, %c0_i32 : i32, i32
  }
}

module attributes {stable_mosaic.version = 14 : i64} {
  func.func @_edge_prep_body(%arg0: i32, %arg1: memref<1000x144xf32, #tpu.memory_space<vmem>>, %arg2: memref<1000x144xf32, #tpu.memory_space<vmem>>, %arg3: memref<1x128xf32, #tpu.memory_space<vmem>>, %arg4: memref<1000x144xf32, #tpu.memory_space<vmem>>) attributes {dimension_semantics = [#tpu.dimension_semantics<arbitrary>], iteration_bounds = array<i64: 10>, scalar_prefetch = 0 : i64, scratch_operands = 0 : i64, tpu.core_type = #tpu.core_type<tc>, window_params = [{transform_indices = @transform_0, window_bounds = array<i64: 1000, 144>}, {transform_indices = @transform_1, window_bounds = array<i64: 1000, 144>}, {pipeline_mode = #tpu.pipeline_mode<synchronous>, transform_indices = @transform_2, window_bounds = array<i64: 1, 128>}, {transform_indices = @transform_3, window_bounds = array<i64: 1000, 144>}]} {
    %get3A = arith.constant 0 : index
    %get3A_0 = arith.constant 0 : index
    %get3A_1 = vector.load %arg1[%get3A, %get3A_0] : memref<1000x144xf32, #tpu.memory_space<vmem>>, vector<1000x144xf32>
    %get3A_2 = arith.constant 0 : index
    %get3A_3 = arith.constant 0 : index
    %get3A_4 = vector.load %arg2[%get3A_2, %get3A_3] : memref<1000x144xf32, #tpu.memory_space<vmem>>, vector<1000x144xf32>
    %add3A = arith.addf %get3A_1, %get3A_4 : vector<1000x144xf32>
    %slice3A = vector.extract_strided_slice %add3A {offsets = [0, 128], sizes = [1000, 1], strides = [1, 1]} : vector<1000x144xf32> to vector<1000x1xf32>
    %max3A = arith.constant 1.000000e+00 : f32
    %max3A_5 = vector.broadcast %max3A : f32 to vector<1000x1xf32>
    %max3A_6 = arith.maximumf %slice3A, %max3A_5 : vector<1000x1xf32>
    %slice3A_7 = vector.extract_strided_slice %add3A {offsets = [0, 0], sizes = [1000, 128], strides = [1, 1]} : vector<1000x144xf32> to vector<1000x128xf32>
    %div3A = vector.broadcast %max3A_6 : vector<1000x1xf32> to vector<1000x128xf32>
    %div3A_8 = arith.divf %slice3A_7, %div3A : vector<1000x128xf32>
    %get3A_9 = arith.constant 0 : index
    %get3A_10 = arith.constant 0 : index
    %get3A_11 = vector.load %arg3[%get3A_9, %get3A_10] : memref<1x128xf32, #tpu.memory_space<vmem>>, vector<1x128xf32>
    %mul3A = vector.broadcast %get3A_11 : vector<1x128xf32> to vector<1000x128xf32>
    %mul3A_12 = arith.mulf %div3A_8, %mul3A : vector<1000x128xf32>
    %reduce_sum3A = arith.constant dense<0.000000e+00> : vector<1000xf32>
    %reduce_sum3A_13 = vector.multi_reduction <add>, %mul3A_12, %reduce_sum3A [1] : vector<1000x128xf32> to vector<1000xf32>
    %broadcast_in_dim3A = vector.shape_cast %reduce_sum3A_13 : vector<1000xf32> to vector<1000x1xf32>
    %ge3A = arith.constant 0.000000e+00 : f32
    %ge3A_14 = vector.broadcast %ge3A : f32 to vector<1000x1xf32>
    %ge3A_15 = arith.cmpf oge, %broadcast_in_dim3A, %ge3A_14 : vector<1000x1xf32>
    %mul3A_16 = arith.constant 2.000000e-01 : f32
    %mul3A_17 = vector.broadcast %mul3A_16 : f32 to vector<1000x1xf32>
    %mul3A_18 = arith.mulf %mul3A_17, %broadcast_in_dim3A : vector<1000x1xf32>
    %select_n3A = arith.select %ge3A_15, %broadcast_in_dim3A, %mul3A_18 : vector<1000x1xi1>, vector<1000x1xf32>
    %exp3A = math.exp %select_n3A : vector<1000x1xf32>
    %mul3A_19 = vector.broadcast %exp3A : vector<1000x1xf32> to vector<1000x128xf32>
    %mul3A_20 = arith.mulf %div3A_8, %mul3A_19 : vector<1000x128xf32>
    %broadcast_in_dim3A_21 = vector.shape_cast %exp3A : vector<1000x1xf32> to vector<1000x1xf32>
    %broadcast_in_dim3A_22 = vector.broadcast %broadcast_in_dim3A_21 : vector<1000x1xf32> to vector<1000x16xf32>
    %concatenate3A = tpu.concatenate %mul3A_20, %broadcast_in_dim3A_22 in 1 : vector<1000x128xf32>, vector<1000x16xf32> -> vector<1000x144xf32>
    %swap3A = arith.constant 0 : index
    %swap3A_23 = arith.constant 0 : index
    %swap3A_24 = vector.load %arg4[%swap3A, %swap3A_23] : memref<1000x144xf32, #tpu.memory_space<vmem>>, vector<1000x144xf32>
    tpu.vector_store %arg4[%swap3A, %swap3A_23], %concatenate3A {strides = array<i32>} : memref<1000x144xf32, #tpu.memory_space<vmem>>, vector<1000x144xf32>,
    return
  }
  func.func @transform_0(%arg0: i32) -> (i32, i32) {
    %c0_i32 = arith.constant 0 : i32
    %c0_i32_0 = arith.constant 0 : i32
    return %arg0, %c0_i32 : i32, i32
  }
  func.func @transform_1(%arg0: i32) -> (i32, i32) {
    %c0_i32 = arith.constant 0 : i32
    %c0_i32_0 = arith.constant 0 : i32
    return %arg0, %c0_i32 : i32, i32
  }
  func.func @transform_2(%arg0: i32) -> (i32, i32) {
    %c0_i32 = arith.constant 0 : i32
    %c0_i32_0 = arith.constant 0 : i32
    %c0_i32_1 = arith.constant 0 : i32
    return %c0_i32, %c0_i32_0 : i32, i32
  }
  func.func @transform_3(%arg0: i32) -> (i32, i32) {
    %c0_i32 = arith.constant 0 : i32
    %c0_i32_0 = arith.constant 0 : i32
    return %arg0, %c0_i32 : i32, i32
  }
}

module attributes {stable_mosaic.version = 14 : i64} {
  func.func @_big_mm_body(%arg0: i32, %arg1: memref<200x10000xf32, #tpu.memory_space<vmem>>, %arg2: memref<10000x128xf32, #tpu.memory_space<vmem>>, %arg3: memref<200x128xf32, #tpu.memory_space<vmem>>) attributes {dimension_semantics = [#tpu.dimension_semantics<arbitrary>], iteration_bounds = array<i64: 50>, scalar_prefetch = 0 : i64, scratch_operands = 0 : i64, tpu.core_type = #tpu.core_type<tc>, window_params = [{transform_indices = @transform_0, window_bounds = array<i64: 200, 10000>}, {pipeline_mode = #tpu.pipeline_mode<synchronous>, transform_indices = @transform_1, window_bounds = array<i64: 10000, 128>}, {transform_indices = @transform_2, window_bounds = array<i64: 200, 128>}]} {
    %get3A = arith.constant 0 : index
    %get3A_0 = arith.constant 0 : index
    %get3A_1 = vector.load %arg1[%get3A, %get3A_0] : memref<200x10000xf32, #tpu.memory_space<vmem>>, vector<200x10000xf32>
    %get3A_2 = arith.constant 0 : index
    %get3A_3 = arith.constant 0 : index
    %get3A_4 = vector.load %arg2[%get3A_2, %get3A_3] : memref<10000x128xf32, #tpu.memory_space<vmem>>, vector<10000x128xf32>
    %dot_general3A = arith.constant dense<0.000000e+00> : vector<200x128xf32>
    %dot_general3A_5 = tpu.matmul %get3A_1, %get3A_4, %dot_general3A {dimension_numbers = #tpu.dot_dimension_numbers<[1], [0], [0], [1], [0, 0, 1, 1], [], []>, transpose_lhs_hint = false} : vector<200x10000xf32>, vector<10000x128xf32>, vector<200x128xf32> -> vector<200x128xf32>
    %swap3A = arith.constant 0 : index
    %swap3A_6 = arith.constant 0 : index
    %swap3A_7 = vector.load %arg3[%swap3A, %swap3A_6] : memref<200x128xf32, #tpu.memory_space<vmem>>, vector<200x128xf32>
    tpu.vector_store %arg3[%swap3A, %swap3A_6], %dot_general3A_5 {strides = array<i32>} : memref<200x128xf32, #tpu.memory_space<vmem>>, vector<200x128xf32>,
    return
  }
  func.func @transform_0(%arg0: i32) -> (i32, i32) {
    %c0_i32 = arith.constant 0 : i32
    %c0_i32_0 = arith.constant 0 : i32
    return %arg0, %c0_i32 : i32, i32
  }
  func.func @transform_1(%arg0: i32) -> (i32, i32) {
    %c0_i32 = arith.constant 0 : i32
    %c0_i32_0 = arith.constant 0 : i32
    %c0_i32_1 = arith.constant 0 : i32
    return %c0_i32, %c0_i32_0 : i32, i32
  }
  func.func @transform_2(%arg0: i32) -> (i32, i32) {
    %c0_i32 = arith.constant 0 : i32
    %c0_i32_0 = arith.constant 0 : i32
    return %arg0, %c0_i32 : i32, i32
  }
}

module attributes {stable_mosaic.version = 14 : i64} {
  func.func @_attn_mid_body(%arg0: i32, %arg1: memref<1000x128xf32, #tpu.memory_space<vmem>>, %arg2: memref<1000x144xf32, #tpu.memory_space<vmem>>, %arg3: memref<1000x144xf32, #tpu.memory_space<vmem>>, %arg4: memref<128x16xf32, #tpu.memory_space<vmem>>, %arg5: memref<1x16xf32, #tpu.memory_space<vmem>>, %arg6: memref<1x16xf32, #tpu.memory_space<vmem>>, %arg7: memref<128x128xf32, #tpu.memory_space<vmem>>, %arg8: memref<1x128xf32, #tpu.memory_space<vmem>>, %arg9: memref<128x128xf32, #tpu.memory_space<vmem>>, %arg10: memref<1000x128xf32, #tpu.memory_space<vmem>>, %arg11: memref<1000x144xf32, #tpu.memory_space<vmem>>) attributes {dimension_semantics = [#tpu.dimension_semantics<arbitrary>], iteration_bounds = array<i64: 10>, scalar_prefetch = 0 : i64, scratch_operands = 0 : i64, tpu.core_type = #tpu.core_type<tc>, window_params = [{transform_indices = @transform_0, window_bounds = array<i64: 1000, 128>}, {transform_indices = @transform_1, window_bounds = array<i64: 1000, 144>}, {transform_indices = @transform_2, window_bounds = array<i64: 1000, 144>}, {pipeline_mode = #tpu.pipeline_mode<synchronous>, transform_indices = @transform_3, window_bounds = array<i64: 128, 16>}, {pipeline_mode = #tpu.pipeline_mode<synchronous>, transform_indices = @transform_4, window_bounds = array<i64: 1, 16>}, {pipeline_mode = #tpu.pipeline_mode<synchronous>, transform_indices = @transform_5, window_bounds = array<i64: 1, 16>}, {pipeline_mode = #tpu.pipeline_mode<synchronous>, transform_indices = @transform_6, window_bounds = array<i64: 128, 128>}, {pipeline_mode = #tpu.pipeline_mode<synchronous>, transform_indices = @transform_7, window_bounds = array<i64: 1, 128>}, {pipeline_mode = #tpu.pipeline_mode<synchronous>, transform_indices = @transform_8, window_bounds = array<i64: 128, 128>}, {transform_indices = @transform_9, window_bounds = array<i64: 1000, 128>}, {transform_indices = @transform_10, window_bounds = array<i64: 1000, 144>}]} {
    %get3A = arith.constant 0 : index
    %get3A_0 = arith.constant 0 : index
    %get3A_1 = vector.load %arg1[%get3A, %get3A_0] : memref<1000x128xf32, #tpu.memory_space<vmem>>, vector<1000x128xf32>
    %get3A_2 = arith.constant 0 : index
    %get3A_3 = arith.constant 0 : index
    %get3A_4 = vector.load %arg2[%get3A_2, %get3A_3] : memref<1000x144xf32, #tpu.memory_space<vmem>>, vector<1000x144xf32>
    %get3A_5 = arith.constant 0 : index
    %get3A_6 = arith.constant 0 : index
    %get3A_7 = vector.load %arg3[%get3A_5, %get3A_6] : memref<1000x144xf32, #tpu.memory_space<vmem>>, vector<1000x144xf32>
    %add3A = arith.addf %get3A_4, %get3A_7 : vector<1000x144xf32>
    %slice3A = vector.extract_strided_slice %add3A {offsets = [0, 0], sizes = [1000, 128], strides = [1, 1]} : vector<1000x144xf32> to vector<1000x128xf32>
    %slice3A_8 = vector.extract_strided_slice %add3A {offsets = [0, 128], sizes = [1000, 1], strides = [1, 1]} : vector<1000x144xf32> to vector<1000x1xf32>
    %add3A_9 = arith.constant 1.000000e-16 : f32
    %add3A_10 = vector.broadcast %add3A_9 : f32 to vector<1000x1xf32>
    %add3A_11 = arith.addf %slice3A_8, %add3A_10 : vector<1000x1xf32>
    %div3A = vector.broadcast %add3A_11 : vector<1000x1xf32> to vector<1000x128xf32>
    %div3A_12 = arith.divf %slice3A, %div3A : vector<1000x128xf32>
    %get3A_13 = arith.constant 0 : index
    %get3A_14 = arith.constant 0 : index
    %get3A_15 = vector.load %arg4[%get3A_13, %get3A_14] : memref<128x16xf32, #tpu.memory_space<vmem>>, vector<128x16xf32>
    %dot_general3A = arith.constant dense<0.000000e+00> : vector<1000x16xf32>
    %dot_general3A_16 = tpu.matmul %get3A_1, %get3A_15, %dot_general3A {dimension_numbers = #tpu.dot_dimension_numbers<[1], [0], [0], [1], [0, 0, 1, 1], [], []>, transpose_lhs_hint = false} : vector<1000x128xf32>, vector<128x16xf32>, vector<1000x16xf32> -> vector<1000x16xf32>
    %get3A_17 = arith.constant 0 : index
    %get3A_18 = arith.constant 0 : index
    %get3A_19 = vector.load %arg5[%get3A_17, %get3A_18] : memref<1x16xf32, #tpu.memory_space<vmem>>, vector<1x16xf32>
    %add3A_20 = vector.broadcast %get3A_19 : vector<1x16xf32> to vector<1000x16xf32>
    %add3A_21 = arith.addf %dot_general3A_16, %add3A_20 : vector<1000x16xf32>
    %tanh3A = math.tanh %add3A_21 : vector<1000x16xf32>
    %get3A_22 = arith.constant 0 : index
    %get3A_23 = arith.constant 0 : index
    %get3A_24 = vector.load %arg4[%get3A_22, %get3A_23] : memref<128x16xf32, #tpu.memory_space<vmem>>, vector<128x16xf32>
    %dot_general3A_25 = arith.constant dense<0.000000e+00> : vector<1000x16xf32>
    %dot_general3A_26 = tpu.matmul %div3A_12, %get3A_24, %dot_general3A_25 {dimension_numbers = #tpu.dot_dimension_numbers<[1], [0], [0], [1], [0, 0, 1, 1], [], []>, transpose_lhs_hint = false} : vector<1000x128xf32>, vector<128x16xf32>, vector<1000x16xf32> -> vector<1000x16xf32>
    %get3A_27 = arith.constant 0 : index
    %get3A_28 = arith.constant 0 : index
    %get3A_29 = vector.load %arg5[%get3A_27, %get3A_28] : memref<1x16xf32, #tpu.memory_space<vmem>>, vector<1x16xf32>
    %add3A_30 = vector.broadcast %get3A_29 : vector<1x16xf32> to vector<1000x16xf32>
    %add3A_31 = arith.addf %dot_general3A_26, %add3A_30 : vector<1000x16xf32>
    %tanh3A_32 = math.tanh %add3A_31 : vector<1000x16xf32>
    %get3A_33 = arith.constant 0 : index
    %get3A_34 = arith.constant 0 : index
    %get3A_35 = vector.load %arg6[%get3A_33, %get3A_34] : memref<1x16xf32, #tpu.memory_space<vmem>>, vector<1x16xf32>
    %mul3A = vector.broadcast %get3A_35 : vector<1x16xf32> to vector<1000x16xf32>
    %mul3A_36 = arith.mulf %tanh3A, %mul3A : vector<1000x16xf32>
    %reduce_sum3A = arith.constant dense<0.000000e+00> : vector<1000xf32>
    %reduce_sum3A_37 = vector.multi_reduction <add>, %mul3A_36, %reduce_sum3A [1] : vector<1000x16xf32> to vector<1000xf32>
    %broadcast_in_dim3A = vector.shape_cast %reduce_sum3A_37 : vector<1000xf32> to vector<1000x1xf32>
    %get3A_38 = arith.constant 0 : index
    %get3A_39 = arith.constant 0 : index
    %get3A_40 = vector.load %arg6[%get3A_38, %get3A_39] : memref<1x16xf32, #tpu.memory_space<vmem>>, vector<1x16xf32>
    %mul3A_41 = vector.broadcast %get3A_40 : vector<1x16xf32> to vector<1000x16xf32>
    %mul3A_42 = arith.mulf %tanh3A_32, %mul3A_41 : vector<1000x16xf32>
    %reduce_sum3A_43 = arith.constant dense<0.000000e+00> : vector<1000xf32>
    %reduce_sum3A_44 = vector.multi_reduction <add>, %mul3A_42, %reduce_sum3A_43 [1] : vector<1000x16xf32> to vector<1000xf32>
    %broadcast_in_dim3A_45 = vector.shape_cast %reduce_sum3A_44 : vector<1000xf32> to vector<1000x1xf32>
    %max3A = arith.maximumf %broadcast_in_dim3A, %broadcast_in_dim3A_45 : vector<1000x1xf32>
    %sub3A = arith.subf %broadcast_in_dim3A, %max3A : vector<1000x1xf32>
    %exp3A = math.exp %sub3A : vector<1000x1xf32>
    %sub3A_46 = arith.subf %broadcast_in_dim3A_45, %max3A : vector<1000x1xf32>
    %exp3A_47 = math.exp %sub3A_46 : vector<1000x1xf32>
    %add3A_48 = arith.addf %exp3A, %exp3A_47 : vector<1000x1xf32>
    %div3A_49 = arith.constant 1.000000e+00 : f32
    %div3A_50 = vector.broadcast %div3A_49 : f32 to vector<1000x1xf32>
    %div3A_51 = arith.divf %div3A_50, %add3A_48 : vector<1000x1xf32>
    %mul3A_52 = arith.mulf %exp3A, %div3A_51 : vector<1000x1xf32>
    %mul3A_53 = vector.broadcast %mul3A_52 : vector<1000x1xf32> to vector<1000x128xf32>
    %mul3A_54 = arith.mulf %mul3A_53, %get3A_1 : vector<1000x128xf32>
    %mul3A_55 = arith.mulf %exp3A_47, %div3A_51 : vector<1000x1xf32>
    %mul3A_56 = vector.broadcast %mul3A_55 : vector<1000x1xf32> to vector<1000x128xf32>
    %mul3A_57 = arith.mulf %mul3A_56, %div3A_12 : vector<1000x128xf32>
    %add3A_58 = arith.addf %mul3A_54, %mul3A_57 : vector<1000x128xf32>
    %get3A_59 = arith.constant 0 : index
    %get3A_60 = arith.constant 0 : index
    %get3A_61 = vector.load %arg7[%get3A_59, %get3A_60] : memref<128x128xf32, #tpu.memory_space<vmem>>, vector<128x128xf32>
    %dot_general3A_62 = arith.constant dense<0.000000e+00> : vector<1000x128xf32>
    %dot_general3A_63 = tpu.matmul %add3A_58, %get3A_61, %dot_general3A_62 {dimension_numbers = #tpu.dot_dimension_numbers<[1], [0], [0], [1], [0, 0, 1, 1], [], []>, transpose_lhs_hint = false} : vector<1000x128xf32>, vector<128x128xf32>, vector<1000x128xf32> -> vector<1000x128xf32>
    %get3A_64 = arith.constant 0 : index
    %get3A_65 = arith.constant 0 : index
    %get3A_66 = vector.load %arg8[%get3A_64, %get3A_65] : memref<1x128xf32, #tpu.memory_space<vmem>>, vector<1x128xf32>
    %add3A_67 = vector.broadcast %get3A_66 : vector<1x128xf32> to vector<1000x128xf32>
    %add3A_68 = arith.addf %dot_general3A_63, %add3A_67 : vector<1000x128xf32>
    %swap3A = arith.constant 0 : index
    %swap3A_69 = arith.constant 0 : index
    %swap3A_70 = vector.load %arg10[%swap3A, %swap3A_69] : memref<1000x128xf32, #tpu.memory_space<vmem>>, vector<1000x128xf32>
    tpu.vector_store %arg10[%swap3A, %swap3A_69], %add3A_68 {strides = array<i32>} : memref<1000x128xf32, #tpu.memory_space<vmem>>, vector<1000x128xf32>,
    %get3A_71 = arith.constant 0 : index
    %get3A_72 = arith.constant 0 : index
    %get3A_73 = vector.load %arg9[%get3A_71, %get3A_72] : memref<128x128xf32, #tpu.memory_space<vmem>>, vector<128x128xf32>
    %dot_general3A_74 = arith.constant dense<0.000000e+00> : vector<1000x128xf32>
    %dot_general3A_75 = tpu.matmul %get3A_1, %get3A_73, %dot_general3A_74 {dimension_numbers = #tpu.dot_dimension_numbers<[1], [0], [0], [1], [0, 0, 1, 1], [], []>, transpose_lhs_hint = false} : vector<1000x128xf32>, vector<128x128xf32>, vector<1000x128xf32> -> vector<1000x128xf32>
    %broadcast_in_dim3A_76 = arith.constant 1.000000e+00 : f32
    %broadcast_in_dim3A_77 = vector.broadcast %broadcast_in_dim3A_76 : f32 to vector<1000x16xf32>
    %concatenate3A = tpu.concatenate %dot_general3A_75, %broadcast_in_dim3A_77 in 1 : vector<1000x128xf32>, vector<1000x16xf32> -> vector<1000x144xf32>
    %swap3A_78 = arith.constant 0 : index
    %swap3A_79 = arith.constant 0 : index
    %swap3A_80 = vector.load %arg11[%swap3A_78, %swap3A_79] : memref<1000x144xf32, #tpu.memory_space<vmem>>, vector<1000x144xf32>
    tpu.vector_store %arg11[%swap3A_78, %swap3A_79], %concatenate3A {strides = array<i32>} : memref<1000x144xf32, #tpu.memory_space<vmem>>, vector<1000x144xf32>,
    return
  }
  func.func @transform_0(%arg0: i32) -> (i32, i32) {
    %c0_i32 = arith.constant 0 : i32
    %c0_i32_0 = arith.constant 0 : i32
    return %arg0, %c0_i32 : i32, i32
  }
  func.func @transform_1(%arg0: i32) -> (i32, i32) {
    %c0_i32 = arith.constant 0 : i32
    %c0_i32_0 = arith.constant 0 : i32
    return %arg0, %c0_i32 : i32, i32
  }
  func.func @transform_2(%arg0: i32) -> (i32, i32) {
    %c0_i32 = arith.constant 0 : i32
    %c0_i32_0 = arith.constant 0 : i32
    return %arg0, %c0_i32 : i32, i32
  }
  func.func @transform_3(%arg0: i32) -> (i32, i32) {
    %c0_i32 = arith.constant 0 : i32
    %c0_i32_0 = arith.constant 0 : i32
    %c0_i32_1 = arith.constant 0 : i32
    return %c0_i32, %c0_i32_0 : i32, i32
  }
  func.func @transform_4(%arg0: i32) -> (i32, i32) {
    %c0_i32 = arith.constant 0 : i32
    %c0_i32_0 = arith.constant 0 : i32
    %c0_i32_1 = arith.constant 0 : i32
    return %c0_i32, %c0_i32_0 : i32, i32
  }
  func.func @transform_5(%arg0: i32) -> (i32, i32) {
    %c0_i32 = arith.constant 0 : i32
    %c0_i32_0 = arith.constant 0 : i32
    %c0_i32_1 = arith.constant 0 : i32
    return %c0_i32, %c0_i32_0 : i32, i32
  }
  func.func @transform_6(%arg0: i32) -> (i32, i32) {
    %c0_i32 = arith.constant 0 : i32
    %c0_i32_0 = arith.constant 0 : i32
    %c0_i32_1 = arith.constant 0 : i32
    return %c0_i32, %c0_i32_0 : i32, i32
  }
  func.func @transform_7(%arg0: i32) -> (i32, i32) {
    %c0_i32 = arith.constant 0 : i32
    %c0_i32_0 = arith.constant 0 : i32
    %c0_i32_1 = arith.constant 0 : i32
    return %c0_i32, %c0_i32_0 : i32, i32
  }
  func.func @transform_8(%arg0: i32) -> (i32, i32) {
    %c0_i32 = arith.constant 0 : i32
    %c0_i32_0 = arith.constant 0 : i32
    %c0_i32_1 = arith.constant 0 : i32
    return %c0_i32, %c0_i32_0 : i32, i32
  }
  func.func @transform_9(%arg0: i32) -> (i32, i32) {
    %c0_i32 = arith.constant 0 : i32
    %c0_i32_0 = arith.constant 0 : i32
    return %arg0, %c0_i32 : i32, i32
  }
  func.func @transform_10(%arg0: i32) -> (i32, i32) {
    %c0_i32 = arith.constant 0 : i32
    %c0_i32_0 = arith.constant 0 : i32
    return %arg0, %c0_i32 : i32, i32
  }
}

module attributes {stable_mosaic.version = 14 : i64} {
  func.func @_big_mm_body(%arg0: i32, %arg1: memref<200x10000xf32, #tpu.memory_space<vmem>>, %arg2: memref<10000x128xf32, #tpu.memory_space<vmem>>, %arg3: memref<200x128xf32, #tpu.memory_space<vmem>>) attributes {dimension_semantics = [#tpu.dimension_semantics<arbitrary>], iteration_bounds = array<i64: 50>, scalar_prefetch = 0 : i64, scratch_operands = 0 : i64, tpu.core_type = #tpu.core_type<tc>, window_params = [{transform_indices = @transform_0, window_bounds = array<i64: 200, 10000>}, {pipeline_mode = #tpu.pipeline_mode<synchronous>, transform_indices = @transform_1, window_bounds = array<i64: 10000, 128>}, {transform_indices = @transform_2, window_bounds = array<i64: 200, 128>}]} {
    %get3A = arith.constant 0 : index
    %get3A_0 = arith.constant 0 : index
    %get3A_1 = vector.load %arg1[%get3A, %get3A_0] : memref<200x10000xf32, #tpu.memory_space<vmem>>, vector<200x10000xf32>
    %get3A_2 = arith.constant 0 : index
    %get3A_3 = arith.constant 0 : index
    %get3A_4 = vector.load %arg2[%get3A_2, %get3A_3] : memref<10000x128xf32, #tpu.memory_space<vmem>>, vector<10000x128xf32>
    %dot_general3A = arith.constant dense<0.000000e+00> : vector<200x128xf32>
    %dot_general3A_5 = tpu.matmul %get3A_1, %get3A_4, %dot_general3A {dimension_numbers = #tpu.dot_dimension_numbers<[1], [0], [0], [1], [0, 0, 1, 1], [], []>, transpose_lhs_hint = false} : vector<200x10000xf32>, vector<10000x128xf32>, vector<200x128xf32> -> vector<200x128xf32>
    %swap3A = arith.constant 0 : index
    %swap3A_6 = arith.constant 0 : index
    %swap3A_7 = vector.load %arg3[%swap3A, %swap3A_6] : memref<200x128xf32, #tpu.memory_space<vmem>>, vector<200x128xf32>
    tpu.vector_store %arg3[%swap3A, %swap3A_6], %dot_general3A_5 {strides = array<i32>} : memref<200x128xf32, #tpu.memory_space<vmem>>, vector<200x128xf32>,
    return
  }
  func.func @transform_0(%arg0: i32) -> (i32, i32) {
    %c0_i32 = arith.constant 0 : i32
    %c0_i32_0 = arith.constant 0 : i32
    return %arg0, %c0_i32 : i32, i32
  }
  func.func @transform_1(%arg0: i32) -> (i32, i32) {
    %c0_i32 = arith.constant 0 : i32
    %c0_i32_0 = arith.constant 0 : i32
    %c0_i32_1 = arith.constant 0 : i32
    return %c0_i32, %c0_i32_0 : i32, i32
  }
  func.func @transform_2(%arg0: i32) -> (i32, i32) {
    %c0_i32 = arith.constant 0 : i32
    %c0_i32_0 = arith.constant 0 : i32
    return %arg0, %c0_i32 : i32, i32
  }
}

module attributes {stable_mosaic.version = 14 : i64} {
  func.func @_attn_final_body(%arg0: i32, %arg1: memref<1000x128xf32, #tpu.memory_space<vmem>>, %arg2: memref<1000x144xf32, #tpu.memory_space<vmem>>, %arg3: memref<1000x144xf32, #tpu.memory_space<vmem>>, %arg4: memref<128x16xf32, #tpu.memory_space<vmem>>, %arg5: memref<1x16xf32, #tpu.memory_space<vmem>>, %arg6: memref<1x16xf32, #tpu.memory_space<vmem>>, %arg7: memref<1000x128xf32, #tpu.memory_space<vmem>>, %arg8: memref<1000x128xf32, #tpu.memory_space<vmem>>) attributes {dimension_semantics = [#tpu.dimension_semantics<arbitrary>], iteration_bounds = array<i64: 10>, scalar_prefetch = 0 : i64, scratch_operands = 0 : i64, tpu.core_type = #tpu.core_type<tc>, window_params = [{transform_indices = @transform_0, window_bounds = array<i64: 1000, 128>}, {transform_indices = @transform_1, window_bounds = array<i64: 1000, 144>}, {transform_indices = @transform_2, window_bounds = array<i64: 1000, 144>}, {pipeline_mode = #tpu.pipeline_mode<synchronous>, transform_indices = @transform_3, window_bounds = array<i64: 128, 16>}, {pipeline_mode = #tpu.pipeline_mode<synchronous>, transform_indices = @transform_4, window_bounds = array<i64: 1, 16>}, {pipeline_mode = #tpu.pipeline_mode<synchronous>, transform_indices = @transform_5, window_bounds = array<i64: 1, 16>}, {transform_indices = @transform_6, window_bounds = array<i64: 1000, 128>}, {transform_indices = @transform_7, window_bounds = array<i64: 1000, 128>}]} {
    %get3A = arith.constant 0 : index
    %get3A_0 = arith.constant 0 : index
    %get3A_1 = vector.load %arg1[%get3A, %get3A_0] : memref<1000x128xf32, #tpu.memory_space<vmem>>, vector<1000x128xf32>
    %get3A_2 = arith.constant 0 : index
    %get3A_3 = arith.constant 0 : index
    %get3A_4 = vector.load %arg2[%get3A_2, %get3A_3] : memref<1000x144xf32, #tpu.memory_space<vmem>>, vector<1000x144xf32>
    %get3A_5 = arith.constant 0 : index
    %get3A_6 = arith.constant 0 : index
    %get3A_7 = vector.load %arg3[%get3A_5, %get3A_6] : memref<1000x144xf32, #tpu.memory_space<vmem>>, vector<1000x144xf32>
    %add3A = arith.addf %get3A_4, %get3A_7 : vector<1000x144xf32>
    %slice3A = vector.extract_strided_slice %add3A {offsets = [0, 0], sizes = [1000, 128], strides = [1, 1]} : vector<1000x144xf32> to vector<1000x128xf32>
    %slice3A_8 = vector.extract_strided_slice %add3A {offsets = [0, 128], sizes = [1000, 1], strides = [1, 1]} : vector<1000x144xf32> to vector<1000x1xf32>
    %add3A_9 = arith.constant 1.000000e-16 : f32
    %add3A_10 = vector.broadcast %add3A_9 : f32 to vector<1000x1xf32>
    %add3A_11 = arith.addf %slice3A_8, %add3A_10 : vector<1000x1xf32>
    %div3A = vector.broadcast %add3A_11 : vector<1000x1xf32> to vector<1000x128xf32>
    %div3A_12 = arith.divf %slice3A, %div3A : vector<1000x128xf32>
    %swap3A = arith.constant 0 : index
    %swap3A_13 = arith.constant 0 : index
    %swap3A_14 = vector.load %arg7[%swap3A, %swap3A_13] : memref<1000x128xf32, #tpu.memory_space<vmem>>, vector<1000x128xf32>
    tpu.vector_store %arg7[%swap3A, %swap3A_13], %div3A_12 {strides = array<i32>} : memref<1000x128xf32, #tpu.memory_space<vmem>>, vector<1000x128xf32>,
    %get3A_15 = arith.constant 0 : index
    %get3A_16 = arith.constant 0 : index
    %get3A_17 = vector.load %arg4[%get3A_15, %get3A_16] : memref<128x16xf32, #tpu.memory_space<vmem>>, vector<128x16xf32>
    %dot_general3A = arith.constant dense<0.000000e+00> : vector<1000x16xf32>
    %dot_general3A_18 = tpu.matmul %div3A_12, %get3A_17, %dot_general3A {dimension_numbers = #tpu.dot_dimension_numbers<[1], [0], [0], [1], [0, 0, 1, 1], [], []>, transpose_lhs_hint = false} : vector<1000x128xf32>, vector<128x16xf32>, vector<1000x16xf32> -> vector<1000x16xf32>
    %get3A_19 = arith.constant 0 : index
    %get3A_20 = arith.constant 0 : index
    %get3A_21 = vector.load %arg5[%get3A_19, %get3A_20] : memref<1x16xf32, #tpu.memory_space<vmem>>, vector<1x16xf32>
    %add3A_22 = vector.broadcast %get3A_21 : vector<1x16xf32> to vector<1000x16xf32>
    %add3A_23 = arith.addf %dot_general3A_18, %add3A_22 : vector<1000x16xf32>
    %tanh3A = math.tanh %add3A_23 : vector<1000x16xf32>
    %get3A_24 = arith.constant 0 : index
    %get3A_25 = arith.constant 0 : index
    %get3A_26 = vector.load %arg4[%get3A_24, %get3A_25] : memref<128x16xf32, #tpu.memory_space<vmem>>, vector<128x16xf32>
    %dot_general3A_27 = arith.constant dense<0.000000e+00> : vector<1000x16xf32>
    %dot_general3A_28 = tpu.matmul %get3A_1, %get3A_26, %dot_general3A_27 {dimension_numbers = #tpu.dot_dimension_numbers<[1], [0], [0], [1], [0, 0, 1, 1], [], []>, transpose_lhs_hint = false} : vector<1000x128xf32>, vector<128x16xf32>, vector<1000x16xf32> -> vector<1000x16xf32>
    %get3A_29 = arith.constant 0 : index
    %get3A_30 = arith.constant 0 : index
    %get3A_31 = vector.load %arg5[%get3A_29, %get3A_30] : memref<1x16xf32, #tpu.memory_space<vmem>>, vector<1x16xf32>
    %add3A_32 = vector.broadcast %get3A_31 : vector<1x16xf32> to vector<1000x16xf32>
    %add3A_33 = arith.addf %dot_general3A_28, %add3A_32 : vector<1000x16xf32>
    %tanh3A_34 = math.tanh %add3A_33 : vector<1000x16xf32>
    %get3A_35 = arith.constant 0 : index
    %get3A_36 = arith.constant 0 : index
    %get3A_37 = vector.load %arg6[%get3A_35, %get3A_36] : memref<1x16xf32, #tpu.memory_space<vmem>>, vector<1x16xf32>
    %mul3A = vector.broadcast %get3A_37 : vector<1x16xf32> to vector<1000x16xf32>
    %mul3A_38 = arith.mulf %tanh3A, %mul3A : vector<1000x16xf32>
    %reduce_sum3A = arith.constant dense<0.000000e+00> : vector<1000xf32>
    %reduce_sum3A_39 = vector.multi_reduction <add>, %mul3A_38, %reduce_sum3A [1] : vector<1000x16xf32> to vector<1000xf32>
    %broadcast_in_dim3A = vector.shape_cast %reduce_sum3A_39 : vector<1000xf32> to vector<1000x1xf32>
    %get3A_40 = arith.constant 0 : index
    %get3A_41 = arith.constant 0 : index
    %get3A_42 = vector.load %arg6[%get3A_40, %get3A_41] : memref<1x16xf32, #tpu.memory_space<vmem>>, vector<1x16xf32>
    %mul3A_43 = vector.broadcast %get3A_42 : vector<1x16xf32> to vector<1000x16xf32>
    %mul3A_44 = arith.mulf %tanh3A_34, %mul3A_43 : vector<1000x16xf32>
    %reduce_sum3A_45 = arith.constant dense<0.000000e+00> : vector<1000xf32>
    %reduce_sum3A_46 = vector.multi_reduction <add>, %mul3A_44, %reduce_sum3A_45 [1] : vector<1000x16xf32> to vector<1000xf32>
    %broadcast_in_dim3A_47 = vector.shape_cast %reduce_sum3A_46 : vector<1000xf32> to vector<1000x1xf32>
    %max3A = arith.maximumf %broadcast_in_dim3A, %broadcast_in_dim3A_47 : vector<1000x1xf32>
    %sub3A = arith.subf %broadcast_in_dim3A, %max3A : vector<1000x1xf32>
    %exp3A = math.exp %sub3A : vector<1000x1xf32>
    %sub3A_48 = arith.subf %broadcast_in_dim3A_47, %max3A : vector<1000x1xf32>
    %exp3A_49 = math.exp %sub3A_48 : vector<1000x1xf32>
    %add3A_50 = arith.addf %exp3A, %exp3A_49 : vector<1000x1xf32>
    %div3A_51 = arith.constant 1.000000e+00 : f32
    %div3A_52 = vector.broadcast %div3A_51 : f32 to vector<1000x1xf32>
    %div3A_53 = arith.divf %div3A_52, %add3A_50 : vector<1000x1xf32>
    %mul3A_54 = arith.mulf %exp3A, %div3A_53 : vector<1000x1xf32>
    %mul3A_55 = vector.broadcast %mul3A_54 : vector<1000x1xf32> to vector<1000x128xf32>
    %mul3A_56 = arith.mulf %mul3A_55, %div3A_12 : vector<1000x128xf32>
    %mul3A_57 = arith.mulf %exp3A_49, %div3A_53 : vector<1000x1xf32>
    %mul3A_58 = vector.broadcast %mul3A_57 : vector<1000x1xf32> to vector<1000x128xf32>
    %mul3A_59 = arith.mulf %mul3A_58, %get3A_1 : vector<1000x128xf32>
    %add3A_60 = arith.addf %mul3A_56, %mul3A_59 : vector<1000x128xf32>
    %swap3A_61 = arith.constant 0 : index
    %swap3A_62 = arith.constant 0 : index
    %swap3A_63 = vector.load %arg8[%swap3A_61, %swap3A_62] : memref<1000x128xf32, #tpu.memory_space<vmem>>, vector<1000x128xf32>
    tpu.vector_store %arg8[%swap3A_61, %swap3A_62], %add3A_60 {strides = array<i32>} : memref<1000x128xf32, #tpu.memory_space<vmem>>, vector<1000x128xf32>,
    return
  }
  func.func @transform_0(%arg0: i32) -> (i32, i32) {
    %c0_i32 = arith.constant 0 : i32
    %c0_i32_0 = arith.constant 0 : i32
    return %arg0, %c0_i32 : i32, i32
  }
  func.func @transform_1(%arg0: i32) -> (i32, i32) {
    %c0_i32 = arith.constant 0 : i32
    %c0_i32_0 = arith.constant 0 : i32
    return %arg0, %c0_i32 : i32, i32
  }
  func.func @transform_2(%arg0: i32) -> (i32, i32) {
    %c0_i32 = arith.constant 0 : i32
    %c0_i32_0 = arith.constant 0 : i32
    return %arg0, %c0_i32 : i32, i32
  }
  func.func @transform_3(%arg0: i32) -> (i32, i32) {
    %c0_i32 = arith.constant 0 : i32
    %c0_i32_0 = arith.constant 0 : i32
    %c0_i32_1 = arith.constant 0 : i32
    return %c0_i32, %c0_i32_0 : i32, i32
  }
  func.func @transform_4(%arg0: i32) -> (i32, i32) {
    %c0_i32 = arith.constant 0 : i32
    %c0_i32_0 = arith.constant 0 : i32
    %c0_i32_1 = arith.constant 0 : i32
    return %c0_i32, %c0_i32_0 : i32, i32
  }
  func.func @transform_5(%arg0: i32) -> (i32, i32) {
    %c0_i32 = arith.constant 0 : i32
    %c0_i32_0 = arith.constant 0 : i32
    %c0_i32_1 = arith.constant 0 : i32
    return %c0_i32, %c0_i32_0 : i32, i32
  }
  func.func @transform_6(%arg0: i32) -> (i32, i32) {
    %c0_i32 = arith.constant 0 : i32
    %c0_i32_0 = arith.constant 0 : i32
    return %arg0, %c0_i32 : i32, i32
  }
  func.func @transform_7(%arg0: i32) -> (i32, i32) {
    %c0_i32 = arith.constant 0 : i32
    %c0_i32_0 = arith.constant 0 : i32
    return %arg0, %c0_i32 : i32, i32
  }
}

</mosaic_0001>

<sc_bundles>
// kernel: kernel.13.cloned.1.call-start
scs
__scs_entry_jumppad:
0x0: {  	(pc) =	sbr.rel $0x88, $3  }
0x1: {  	(tag) =	ssettag $0x0;
	lr =	simm.s32 $0x1  }
0x2: {  	[smem:$0x3F8F] =	sst lr;
	_ =	strace $0xD0000000  }
0x3: {  	_ = 	snop  }
0x4: {  	_ = 	snop  }
0x5: {  	_ = 	snop  }
0x6: {  	_ = 	snop  }
0x7: {  	_ = 	snop  }
__scs_overlays_trampoline_lowered:
0x8: {  	[smem:$0x3F9E] =	sst s0  }
0x9: {  	[smem:$0x3F9F] =	sst s1  }
0xa: {  	[smem:$0x3FA0] =	sst s2  }
0xb: {  	[smem:$0x3FA1] =	sst s3  }
0xc: {  	[smem:$0x3FA2] =	sst s4  }
0xd: {  	[smem:$0x3FA3] =	sst s5  }
0xe: {  	[smem:$0x3FA4] =	sst s6  }
0xf: {  	[smem:$0x3FA5] =	sst s7  }
0x10: {  	[smem:$0x3FA6] =	sst s8  }
0x11: {  	[smem:$0x3FA7] =	sst s9;
	s0 =	simm.s32 @!p0 $0x0  }
0x12: {  	s1 =	sld [smem:$0x3F8D];
	s0 =	simm.s32 @p0 $0x1  }
0x13: {  	[smem:$0x3FA8] =	sst s0;
	s0 =	simm.s32 @!p1 $0x0  }
0x14: {  	s2 =	sld [smem:$0x3F8C];
	s0 =	simm.s32 @p1 $0x1  }
0x15: {  	[smem:$0x3FA9] =	sst s0;
	s0 =	simm.s32 @!p2 $0x0  }
0x16: {  	s3 =	sld [smem:$0x3FDB];
	s0 =	simm.s32 @p2 $0x1  }
0x17: {  	s4 =	simm.s32 $0x1BF5;
	[smem:$0x3FAB] =	sst s0  }
0x18: {  	s0 =	sld [smem:$0x3F8E];
	_ =	swait.ge [sflag:s4], $0x0  }
0x19: {  	s7 =	sld [smem:$0x3F8F]  }
0x1a: {  	s8 =	sadd.s32 $0xFFFFE003, lr  }
0x1b: {  	s9 =	sadd.s32 $0xFFFFFEF7, lr;
	s5 =	simm.s32 $0xFFFFFFFF;
	p2 =	slt.u32 s8, $0xFFFFF086  }
0x1c: {  	p1 =	slt.u32 s9, $0xF7A;
	s5 =	simm.s32 @!p2 $0x0  }
0x1d: {  	s5 =	simm.s32 @p1 $0x1;
	p0 =	seq.s32 s7, s2  }
0x1e: {  	s7 =	smul.u32 @!p0 $0xF7A, s2;
	p2 =	seq.s32 @!p0 s5, $0x0  }
0x1f: {  	s9 =	smul.u32 $0xF7A, s1;
	s8 =	simm.s32 @!p0 $0x1BF5;
	p2 =	por !p2, p0  }
0x20: {  	[sflag:s8] =	ssyncset.s32 @!p0 $0xFFFFF086;
	s6 =	sadd.s32 @!p0 s3, s7;
	s7 =	simm.s32 @!p0 $0x108  }
0x21: {  	s3 =	sadd.s32 s3, s9;
	s6 =	sadd.s32 @!p0 $0x88, s6;
	s7 =	simm.s32 @p2 $0x1082  }
0x22: {  	[simem:s7], [sflag:s8] =	dma.local @!p0 [hbm:s6], $0xF7A  }
0x23: {  	s9 =	sor.u32 $0xD0000000, s2;
	s6 =	simm.s32 $0x108;
	_ =	swait.ge @!p0 [sflag:s8], $0x0  }
0x24: {  	s3 =	sadd.s32 $0x88, s3;
	s6 =	simm.s32 @!p1 $0x1082;
	[sflag:s4] =	ssyncset.s32 $0xFFFFF086  }
0x25: {  	[simem:s6], [sflag:s4] =	dma.local [hbm:s3], $0xF7A  }
0x26: {  	[smem:$0x3F8F] =	sst s1;
	(tag) =	ssettag s2;
	_ =	strace s9  }
0x27: {  	s1 =	sld [smem:$0x3F9F]  }
0x28: {  	s2 =	sld [smem:$0x3FA0]  }
0x29: {  	s4 =	sld [smem:$0x3FA2]  }
0x2a: {  	p0 =	seq.s32 s5, $0x0;
	s5 =	sld [smem:$0x3FA3]  }
0x2b: {  	s6 =	sld [smem:$0x3FA4]  }
0x2c: {  	s7 =	sld [smem:$0x3FA5]  }
0x2d: {  	s3 =	simm.s32 $0x108;
	s8 =	sld [smem:$0x3FA6]  }
0x2e: {  	s3 =	simm.s32 @!p0 $0x1082;
	s9 =	sld [smem:$0x3FA7]  }
0x2f: {  	lr =	sadd.s32 s0, s3;
	s0 =	sld [smem:$0x3F9E]  }
0x30: {  	s3 =	sld [smem:$0x3FA1]  }
0x31: {  	[smem:$0x3FAA] =	sst s10  }
0x32: {  	s10 =	sld [smem:$0x3FA8];
	_ =	sdelay $0x3  }
0x33: {  	p0 =	seq.s32 s10, $0x1;
	s10 =	sld [smem:$0x3FAA];
	_ =	sdelay $0x3  }
0x34: {  	[smem:$0x3FAA] =	sst s10  }
0x35: {  	s10 =	sld [smem:$0x3FA9];
	_ =	sdelay $0x3  }
0x36: {  	p1 =	seq.s32 s10, $0x1;
	s10 =	sld [smem:$0x3FAA];
	_ =	sdelay $0x3  }
0x37: {  	[smem:$0x3FAA] =	sst s10  }
0x38: {  	s10 =	sld [smem:$0x3FAB]  }
0x39: {  	_ = 	snop;
	(pc) =	sbr.ind lr, $3  }
0x3a: {  	_ = 	snop  }
0x3b: {  	_ = 	snop  }
0x3c: {  	p2 =	seq.s32 s10, $0x1;
	s10 =	sld [smem:$0x3FAA]  }
0x3d: {  	_ =	shalt  }
0x3e: {  	_ =	shalt  }
0x3f: {  	_ =	shalt  }
0x40: {  	_ =	shalt  }
0x41: {  	_ =	shalt  }
0x42: {  	_ =	shalt  }
0x43: {  	_ =	shalt  }
0x44: {  	_ =	shalt  }
0x45: {  	_ =	shalt  }
0x46: {  	_ =	shalt  }
0x47: {  	_ =	shalt  }
0x48: {  	_ =	shalt  }
0x49: {  	_ =	shalt  }
0x4a: {  	_ =	shalt  }
0x4b: {  	_ =	shalt  }
0x4c: {  	_ =	shalt  }
0x4d: {  	_ =	shalt  }
0x4e: {  	_ =	shalt  }
0x4f: {  	_ =	shalt  }
0x50: {  	_ =	shalt  }
0x51: {  	_ =	shalt  }
0x52: {  	_ =	shalt  }
0x53: {  	_ =	shalt  }
0x54: {  	_ =	shalt  }
0x55: {  	_ =	shalt  }
0x56: {  	_ =	shalt  }
0x57: {  	_ =	shalt  }
0x58: {  	_ =	shalt  }
0x59: {  	_ =	shalt  }
0x5a: {  	_ =	shalt  }
0x5b: {  	_ =	shalt  }
0x5c: {  	_ =	shalt  }
0x5d: {  	_ =	shalt  }
0x5e: {  	_ =	shalt  }
0x5f: {  	_ =	shalt  }
0x60: {  	_ =	shalt  }
0x61: {  	_ =	shalt  }
0x62: {  	_ =	shalt  }
0x63: {  	_ =	shalt  }
0x64: {  	_ =	shalt  }
0x65: {  	_ =	shalt  }
0x66: {  	_ =	shalt  }
0x67: {  	_ =	shalt  }
0x68: {  	_ =	shalt  }
0x69: {  	_ =	shalt  }
0x6a: {  	_ =	shalt  }
0x6b: {  	_ =	shalt  }
0x6c: {  	_ =	shalt  }
0x6d: {  	_ =	shalt  }
0x6e: {  	_ =	shalt  }
0x6f: {  	_ =	shalt  }
0x70: {  	_ =	shalt  }
0x71: {  	_ =	shalt  }
0x72: {  	_ =	shalt  }
0x73: {  	_ =	shalt  }
0x74: {  	_ =	shalt  }
0x75: {  	_ =	shalt  }
0x76: {  	_ =	shalt  }
0x77: {  	_ =	shalt  }
0x78: {  	_ =	shalt  }
0x79: {  	_ =	shalt  }
0x7a: {  	_ =	shalt  }
0x7b: {  	_ =	shalt  }
0x7c: {  	_ =	shalt  }
0x7d: {  	_ =	shalt  }
0x7e: {  	_ =	shalt  }
0x7f: {  	_ =	shalt  }
0x80: {  	_ =	shalt  }
0x81: {  	_ =	shalt  }
0x82: {  	_ =	shalt  }
0x83: {  	_ =	shalt  }
0x84: {  	_ =	shalt  }
0x85: {  	_ =	shalt  }
0x86: {  	_ =	shalt  }
0x87: {  	_ =	shalt  }
.Lfunc_end0:
.L_simem_size_0:
called_computation_lowered:
.L_overlay_start_0:
0x88: {  	s2 =	sld [smem:$0x3FD9]  }
0x89: {  	s3 =	sld [smem:$0x3FFE];
	_ =	sdelay $0x1  }
0x8a: {  	s1 =	srdreg.scid  }
0x8b: {  	s0 =	sand.u32 $0x1, s1  }
0x8c: {  	s14 =	sshll.u32 s0, $0xA;
	s2 =	sadd.s32 s3, s2  }
0x8d: {  	s2 =	sadd.s32 s2, s14  }
0x8e: {  	[smem:$0x3FB6] =	sst s2  }
0x8f: {  	_ = 	snop  }
0x90: {  	s2 =	sld [smem:$0x3FD0];
	_ =	sdelay $0x2  }
0x91: {  	s15 =	simm.s32 $0xA;
	s4 =	simm.s32 $0x10  }
0x92: {  	[smem:s4], [sflag:s15] =	dma.local [hbm:s2], $0x1  }
0x93: {  	_ =	swait.eq [sflag:s15], $0x1  }
0x94: {  	[sflag:s15] =	ssyncset.done $0x0  }
0x95: {  	s16 =	sld [smem:$0x11];
	[sflag:s15] =	ssyncadd.s32 $0xFFFFFFFF  }
0x96: {  	s17 =	sld [smem:$0x12];
	(tm) =	ssettm $0x1  }
0x97: {  	s18 =	sld [smem:$0x3FFB];
	_ =	sdelay $0x3  }
0x98: {  	_ =	strace s18  }
0x99: {  	s4 =	sld [smem:$0x3FFC];
	_ =	sdelay $0x3  }
0x9a: {  	_ =	strace s4  }
0x9b: {  	s4 =	sld [smem:$0x3FFD];
	_ =	sdelay $0x3  }
0x9c: {  	_ =	strace s4  }
0x9d: {  	_ =	strace $0x8FFFFFFF  }
0x9e: {  	s19 =	sld [smem:$0x3FDB];
	_ =	sdelay $0x1  }
0x9f: {  	s5 =	simm.s32 $_scs_section_size  }
0xa0: {  	s6 =	simm.s32 $_size__tile_overlayer_lowered;
	s7 =	simm.s32 $_tile_overlayer_lowered  }
0xa1: {  	s22 =	simm.s32 $0x1BFF;
	s21 =	sshll.u32 s7, $0x1;
	s4 =	sadd.s32 s5, s19  }
0xa2: {  	s8 =	simm.s32 $0x0;
	s20 =	sshll.u32 s6, $0x1;
	s6 =	sadd.s32 s21, s4  }
0xa3: {  	[timem:s8], [sflag:s22] =	dma.local [hbm:s6], s20  }
0xa4: {  	_ =	swait.ge [sflag:s22], s20  }
0xa5: {  	s5 =	ssub.s32 $0x0, s20;
	[sflag:s22] =	ssyncset.done $0x0  }
0xa6: {  	[sflag:s22] =	ssyncadd.s32 s5;
	_ =	sdelay $0x1  }
0xa7: {  	s23 =	simm.s32 $0x1B8B  }
0xa8: {  	_ =	swait.ge [sflag:s23], $0x1  }
0xa9: {  	[sflag:s23] =	ssyncset.done $0x0  }
0xaa: {  	s25 =	simm.s32 $0x1B8E;
	s24 =	sld [smem:$0x3FFE];
	[sflag:s23] =	ssyncadd.s32 $0xFFFFFFFF  }
0xab: {  	s26 =	simm.s32 $execute0_lowered;
	[smem:$0x3FD2] =	sst s25  }
0xac: {  	s6 =	sshll.u32 s26, $0x1;
	_ =	strace $0x80000046;
	[dreg:$0x1] =	wrdreg $0xFFFFFFFF  }
0xad: {  	s28 =	simm.s32 $_size_execute0_lowered;
	s4 =	sadd.s32 s4, s6;
	[dreg:$0x0] =	wrdreg $0x0  }
0xae: {  	s6 =	sshll.u32 s28, $0x1;
	[dreg:$0x2] =	wrdreg s4  }
0xaf: {  	[dreg:$0x3] =	wrdreg s6  }
0xb0: {  	[dreg:$0x4] =	wrdreg $0xC0  }
0xb1: {  	_ =	task [dreg:s8], $0x5FFFF  }
0xb2: {  	[dreg:$0x1] =	wrdreg $0xFFFFFFFF  }
0xb3: {  	[dreg:$0x0] =	wrdreg $0x60  }
0xb4: {  	[dreg:$0x2] =	wrdreg s24  }
0xb5: {  	[dreg:$0x3] =	wrdreg s17  }
0xb6: {  	[dreg:$0x4] =	wrdreg s16  }
0xb7: {  	[dreg:$0x5] =	wrdreg $0x0  }
0xb8: {  	[dreg:$0x6] =	wrdreg $0x9  }
0xb9: {  	_ =	task.clear_ibuf [dreg:s8], $0x7FFFF;
	_ =	strace $0x90000046  }
0xba: {  	s29 =	simm.s32 $0x9;
	_ =	strace $0x80000048  }
0xbb: {  	_ =	swait.ge [sflag:s29], $0x1  }
0xbc: {  	[sflag:s29] =	ssyncadd.s32 $0xFFFFFFFF  }
0xbd: {  	_ =	strace $0x90000048  }
0xbe: {  	_ =	sfence  }
0xbf: {  	s30 =	sld [smem:$0x0];
	_ =	sdelay $0x2  }
0xc0: {  	s31 =	sshll.u32 s1, $0xD;
	s1 =	sshrl.u32 s1, $0x2  }
0xc1: {  	s3 =	sand.u32 $0x4000, s31;
	s1 =	sadd.s32 s1, s30  }
0xc2: {  	s0 =	sor.u32 s3, s0;
	s1 =	sshll.u32 s1, $0x11  }
0xc3: {  	s0 =	sor.u32 s1, s0  }
0xc4: {  	s0 =	sadd.s32 $0x8F2B, s0  }
0xc5: {  	[sflag:s0] =	ssyncadd.remote.s32 $0x1  }
0xc6: {  	_ =	sfence.sel $0xFFFF  }
0xc7: {  	[dreg:$0x0] =	wrdreg $0xFFFFFFFF;
	(pc) =	sbr.abs _section_cstart, $3  }
0xc8: {  	[dreg:$0x1] =	wrdreg $0xFFFFFFFF  }
0xc9: {  	_ =	task.clear_ibuf [dreg:s8], $0x2FFFF;
	_ =	strace $0x9FFFFFFF  }
0xca: {  	(tm) =	ssettm $0x7FFFFFFF  }
0xcb: {  	_ =	shalt  }
tec
execute0_lowered:
.L_overlay_start_1:
0x0: {  	(tag) =	ssettag $0x1  }
0x1: {  	s5 =	rddreg [dreg:$0x0]  }
0x2: {  	s8 =	rddreg [dreg:$0x1]  }
0x3: {  	s9 =	rddreg [dreg:$0x2]  }
0x4: {  	s2 =	rddreg [dreg:$0x3]  }
0x5: {  	s0 =	rddreg [dreg:$0x4];
	s1 =	stileid.u32  }
0x6: {  	s4 =	srdreg.scid;
	s3 =	simm.s32 $0x0;
	s15 =	simm.s32 $0x18790  }
0x7: {  	s16 =	simm.s32 $0x1;
	s17 =	simm.s32 $0x0;
	s6 =	smul.u32 $0x15F90, s1  }
0x8: {  	s7 =	sand.u32 $0x1, s4;
	[smem:$0x7FF] =	sst s3;
	s4 =	sadd.s32 $0x4800, s5  }
0x9: {  	s12 =	sshll.u32 s1, $0x1;
	s30 =	sshll.u32 s1, $0x6;
	p0 =	seq.s32 s1, $0x0  }
0xa: {  	s10 =	smul.u32 $0x15F900, s7;
	_ =	strace $0x80000047;
	s13 =	ssub.s32 $0x2, s7  }
0xb: {  	s7 =	sor.u32 s7, s12;
	s11 =	sshrl.u32 s6, $0x3;
	s28 =	sshrl.u32 s13, $0x1  }
0xc: {  	s12 =	smul.u32 $0x27, s7;
	s14 =	sadd.s32 s6, s2;
	s29 =	smin.u32 s7, $0x2  }
0xd: {  	s7 =	sor.u32 $0x1C02, s30;
	s11 =	sadd.s32 s11, s5;
	s10 =	sadd.s32 s6, s10  }
0xe: {  	s13 =	ssub.s32 s13, s28;
	s6 =	simm.s32 $0x28;
	s10 =	sshrl.u32 s10, $0x3  }
0xf: {  	s31 =	sadd.s32 s29, s12;
	s6 =	simm.s32 @!p0 $0x27;
	s12 =	sshrl.u32 s14, $0x3  }
0x10: {  	s10 =	sadd.s32 s10, s5;
	s5 =	sadd.s32 $0x30800, s11;
	s11 =	sshll.u32 s31, $0x4  }
0x11: {  	s14 =	simm.s32 $0x80;
	s8 =	sadd.s32 s8, s11;
	s9 =	sadd.s32 s9, s11  }
0x12: {  	s10 =	sadd.s32 $0x5C800, s10;
	s11 =	smax.u32 s13, $0x1;
	s13 =	simm.s32 $0x2  }
.LBB2_1:
0x13: {  	[spmem:s12], [sflag:s7] =	dma.local [hbm:s5], $0x2BF2  }
0x14: {  	_ =	swait.ge [sflag:s13], $0x2BF2  }
0x15: {  	[sflag:s13] =	ssyncset.done $0x0  }
0x16: {  	[sflag:s13] =	ssyncadd.s32 $0xFFFFD40E  }
0x17: {  	s18 =	simm.s32 $0x15F90;
	[bflag:$0x0] =	sbarrier.arrive $0xFFFF  }
0x18: {  	[tilespmem:s18], [sflag:$0x2] =	stream.linear.gather [hbm4b:s8+s3], $0x1400, $0x38;
	[tilespmem:$0x1CF90] =	vst v63  }
0x19: {  	_ =	swait.ge [sflag:s13], $0x1400  }
0x1a: {  	[sflag:s13] =	ssyncset.done $0x0  }
0x1b: {  	s19 =	simm.s32 $0x17390;
	[sflag:s13] =	ssyncadd.s32 $0xFFFFEC00  }
0x1c: {  	[tilespmem:s19], [sflag:$0x2] =	stream.linear.gather [hbm4b:s9+s3], $0x1400, $0x38;
	[tilespmem:$0x1CF90] =	vst v63  }
0x1d: {  	_ =	swait.ge [sflag:s13], $0x1400  }
0x1e: {  	[sflag:s13] =	ssyncset.done $0x0  }
0x1f: {  	[sflag:s13] =	ssyncadd.s32 $0xFFFFEC00  }
0x20: {  	[tilespmem:s15], [sflag:$0x1] =	stream.indirect.gather [hbm4b:s4+s14], $0x90, s18, s14, $0xb8;
	[tilespmem:$0x1CF90] =	vst v63  }
0x21: {  	p0 =	sne.s32 s6, $0x1;
	_ =	swait.ge [sflag:s16], $0x4800  }
.Ltmp0:
0x22: {  	[sflag:s16] =	ssyncset.done $0x0;
	(pc) =	sbr.rel @!p0 .LBB2_3-.Ltmp0, $4  }
0x23: {  	[sflag:s16] =	ssyncadd.s32 $0xFFFFB800  }
0x24: {  	[spmem:s2] =	stream.indirect.scatter.add.f32 [tilespmem:s15], [sflag:$0x2], $0x90, s19, s14, $0xb8;
	[tilespmem:$0x1CF90] =	vst v63  }
0x25: {  	_ =	swait.ge [sflag:s13], $0x4800  }
0x26: {  	s20 =	sadd.s32 $0xFFFFFFFF, s6;
	[sflag:s13] =	ssyncset.done $0x0  }
.LBB2_2:
0x27: {  	[sflag:s13] =	ssyncadd.s32 $0xFFFFB800;
	s18 =	sadd.s32 $0x80, s18;
	s19 =	sadd.s32 $0x80, s19  }
0x28: {  	[tilespmem:s15], [sflag:$0x1] =	stream.indirect.gather [hbm4b:s4+s14], $0x90, s18, s14, $0xb8;
	[tilespmem:$0x1CF90] =	vst v63  }
0x29: {  	p0 =	sne.s32 s20, $0x1;
	s20 =	sadd.s32 $0xFFFFFFFF, s20;
	_ =	swait.ge [sflag:s16], $0x4800  }
.Ltmp1:
0x2a: {  	[sflag:s16] =	ssyncset.done $0x0;
	(pc) =	sbr.rel @p0 .LBB2_2-.Ltmp1, $4  }
0x2b: {  	[sflag:s16] =	ssyncadd.s32 $0xFFFFB800  }
0x2c: {  	[spmem:s2] =	stream.indirect.scatter.add.f32 [tilespmem:s15], [sflag:$0x2], $0x90, s19, s14, $0xb8;
	[tilespmem:$0x1CF90] =	vst v63  }
0x2d: {  	_ =	swait.ge [sflag:s13], $0x4800  }
0x2e: {  	[sflag:s13] =	ssyncset.done $0x0  }
.LBB2_3:
0x2f: {  	s17 =	sadd.s32 $0x1, s17  }
0x30: {  	[sflag:s13] =	ssyncadd.s32 $0xFFFFB800;
	p0 =	sne.s32 s17, s11  }
.Ltmp2:
0x31: {  	[bflag:$0x0] =	sbarrier.arrive $0xFFFF;
	(pc) =	sbr.rel @p0 .LBB2_1-.Ltmp2, $4  }
0x32: {  	[hbm:s10], [sflag:s7] =	dma.local [spmem:s12], $0x2BF2  }
0x33: {  	_ =	swait.ge [sflag:s13], $0x2BF2  }
0x34: {  	[sflag:s13] =	ssyncset.done $0x0  }
0x35: {  	[sflag:s13] =	ssyncadd.s32 $0xFFFFD40E  }
0x36: {  	_ =	sfence.sel $0x180000  }
0x37: {  	[bflag:$0x0] =	sbarrier.arrive $0xFFFF  }
0x38: {  	p0 =	sne.s32 s1, $0x0;
	_ =	strace $0x90000047  }
0x39: {  	s0 =	sadd.s32 @!p0 $0x100000, s0;
	[bflag:$0x2] =	sbarrier.arrive $0xFFFF  }
0x3a: {  	[sflag:s0] =	ssyncadd.tile.s32 @!p0 $0x1;
	_ =	shalt  }
.Lfunc_end2:
_tile_overlayer_lowered:
.L_overlay_start_2:
0x3b: {  	(tag) =	ssettag $0x2  }
0x3c: {  	s0 =	rddreg [dreg:$0x0];
	s2 =	stileid.u32  }
0x3d: {  	s1 =	rddreg [dreg:$0x1];
	p0 =	sne.s32 s2, $0x0  }
0x3e: {  	s3 =	rddreg [dreg:$0x2];
	[bflag:$0x3] =	sbarrier.arrive $0xFFFF;
	s2 =	simm.s32 @!p0 $0x1C02  }
0x3f: {  	[timem:s3], [sflag:s2] =	dma.local @!p0 [hbm:s0], s1  }
0x40: {  	s0 =	simm.s32 @!p0 $0x2  }
0x41: {  	_ =	swait.ge @!p0 [sflag:s0], s1  }
0x42: {  	s1 =	ssub.s32 @!p0 $0x0, s1;
	[sflag:s0] =	ssyncset.done @!p0 $0x0  }
0x43: {  	[sflag:s0] =	ssyncadd.s32 @!p0 s1  }
0x44: {  	[bflag:$0x3] =	sbarrier.arrive $0xFFFF  }
0x45: {  	_ =	shalt  }

// kernel: kernel.16.cloned.1.call-start
scs
__scs_entry_jumppad:
0x0: {  	(pc) =	sbr.rel $0x88, $3  }
0x1: {  	(tag) =	ssettag $0x0;
	lr =	simm.s32 $0x1  }
0x2: {  	[smem:$0x3F8F] =	sst lr;
	_ =	strace $0xD0000000  }
0x3: {  	_ = 	snop  }
0x4: {  	_ = 	snop  }
0x5: {  	_ = 	snop  }
0x6: {  	_ = 	snop  }
0x7: {  	_ = 	snop  }
__scs_overlays_trampoline_lowered:
0x8: {  	[smem:$0x3F9E] =	sst s0  }
0x9: {  	[smem:$0x3F9F] =	sst s1  }
0xa: {  	[smem:$0x3FA0] =	sst s2  }
0xb: {  	[smem:$0x3FA1] =	sst s3  }
0xc: {  	[smem:$0x3FA2] =	sst s4  }
0xd: {  	[smem:$0x3FA3] =	sst s5  }
0xe: {  	[smem:$0x3FA4] =	sst s6  }
0xf: {  	[smem:$0x3FA5] =	sst s7  }
0x10: {  	[smem:$0x3FA6] =	sst s8  }
0x11: {  	[smem:$0x3FA7] =	sst s9;
	s0 =	simm.s32 @!p0 $0x0  }
0x12: {  	s1 =	sld [smem:$0x3F8D];
	s0 =	simm.s32 @p0 $0x1  }
0x13: {  	[smem:$0x3FA8] =	sst s0;
	s0 =	simm.s32 @!p1 $0x0  }
0x14: {  	s2 =	sld [smem:$0x3F8C];
	s0 =	simm.s32 @p1 $0x1  }
0x15: {  	[smem:$0x3FA9] =	sst s0;
	s0 =	simm.s32 @!p2 $0x0  }
0x16: {  	s3 =	sld [smem:$0x3FDB];
	s0 =	simm.s32 @p2 $0x1  }
0x17: {  	s4 =	simm.s32 $0x1BF5;
	[smem:$0x3FAB] =	sst s0  }
0x18: {  	s0 =	sld [smem:$0x3F8E];
	_ =	swait.ge [sflag:s4], $0x0  }
0x19: {  	s7 =	sld [smem:$0x3F8F]  }
0x1a: {  	s8 =	sadd.s32 $0xFFFFE003, lr  }
0x1b: {  	s9 =	sadd.s32 $0xFFFFFEF7, lr;
	s5 =	simm.s32 $0xFFFFFFFF;
	p2 =	slt.u32 s8, $0xFFFFF086  }
0x1c: {  	p1 =	slt.u32 s9, $0xF7A;
	s5 =	simm.s32 @!p2 $0x0  }
0x1d: {  	s5 =	simm.s32 @p1 $0x1;
	p0 =	seq.s32 s7, s2  }
0x1e: {  	s7 =	smul.u32 @!p0 $0xF7A, s2;
	p2 =	seq.s32 @!p0 s5, $0x0  }
0x1f: {  	s9 =	smul.u32 $0xF7A, s1;
	s8 =	simm.s32 @!p0 $0x1BF5;
	p2 =	por !p2, p0  }
0x20: {  	[sflag:s8] =	ssyncset.s32 @!p0 $0xFFFFF086;
	s6 =	sadd.s32 @!p0 s3, s7;
	s7 =	simm.s32 @!p0 $0x108  }
0x21: {  	s3 =	sadd.s32 s3, s9;
	s6 =	sadd.s32 @!p0 $0x88, s6;
	s7 =	simm.s32 @p2 $0x1082  }
0x22: {  	[simem:s7], [sflag:s8] =	dma.local @!p0 [hbm:s6], $0xF7A  }
0x23: {  	s9 =	sor.u32 $0xD0000000, s2;
	s6 =	simm.s32 $0x108;
	_ =	swait.ge @!p0 [sflag:s8], $0x0  }
0x24: {  	s3 =	sadd.s32 $0x88, s3;
	s6 =	simm.s32 @!p1 $0x1082;
	[sflag:s4] =	ssyncset.s32 $0xFFFFF086  }
0x25: {  	[simem:s6], [sflag:s4] =	dma.local [hbm:s3], $0xF7A  }
0x26: {  	[smem:$0x3F8F] =	sst s1;
	(tag) =	ssettag s2;
	_ =	strace s9  }
0x27: {  	s1 =	sld [smem:$0x3F9F]  }
0x28: {  	s2 =	sld [smem:$0x3FA0]  }
0x29: {  	s4 =	sld [smem:$0x3FA2]  }
0x2a: {  	p0 =	seq.s32 s5, $0x0;
	s5 =	sld [smem:$0x3FA3]  }
0x2b: {  	s6 =	sld [smem:$0x3FA4]  }
0x2c: {  	s7 =	sld [smem:$0x3FA5]  }
0x2d: {  	s3 =	simm.s32 $0x108;
	s8 =	sld [smem:$0x3FA6]  }
0x2e: {  	s3 =	simm.s32 @!p0 $0x1082;
	s9 =	sld [smem:$0x3FA7]  }
0x2f: {  	lr =	sadd.s32 s0, s3;
	s0 =	sld [smem:$0x3F9E]  }
0x30: {  	s3 =	sld [smem:$0x3FA1]  }
0x31: {  	[smem:$0x3FAA] =	sst s10  }
0x32: {  	s10 =	sld [smem:$0x3FA8];
	_ =	sdelay $0x3  }
0x33: {  	p0 =	seq.s32 s10, $0x1;
	s10 =	sld [smem:$0x3FAA];
	_ =	sdelay $0x3  }
0x34: {  	[smem:$0x3FAA] =	sst s10  }
0x35: {  	s10 =	sld [smem:$0x3FA9];
	_ =	sdelay $0x3  }
0x36: {  	p1 =	seq.s32 s10, $0x1;
	s10 =	sld [smem:$0x3FAA];
	_ =	sdelay $0x3  }
0x37: {  	[smem:$0x3FAA] =	sst s10  }
0x38: {  	s10 =	sld [smem:$0x3FAB]  }
0x39: {  	_ = 	snop;
	(pc) =	sbr.ind lr, $3  }
0x3a: {  	_ = 	snop  }
0x3b: {  	_ = 	snop  }
0x3c: {  	p2 =	seq.s32 s10, $0x1;
	s10 =	sld [smem:$0x3FAA]  }
0x3d: {  	_ =	shalt  }
0x3e: {  	_ =	shalt  }
0x3f: {  	_ =	shalt  }
0x40: {  	_ =	shalt  }
0x41: {  	_ =	shalt  }
0x42: {  	_ =	shalt  }
0x43: {  	_ =	shalt  }
0x44: {  	_ =	shalt  }
0x45: {  	_ =	shalt  }
0x46: {  	_ =	shalt  }
0x47: {  	_ =	shalt  }
0x48: {  	_ =	shalt  }
0x49: {  	_ =	shalt  }
0x4a: {  	_ =	shalt  }
0x4b: {  	_ =	shalt  }
0x4c: {  	_ =	shalt  }
0x4d: {  	_ =	shalt  }
0x4e: {  	_ =	shalt  }
0x4f: {  	_ =	shalt  }
0x50: {  	_ =	shalt  }
0x51: {  	_ =	shalt  }
0x52: {  	_ =	shalt  }
0x53: {  	_ =	shalt  }
0x54: {  	_ =	shalt  }
0x55: {  	_ =	shalt  }
0x56: {  	_ =	shalt  }
0x57: {  	_ =	shalt  }
0x58: {  	_ =	shalt  }
0x59: {  	_ =	shalt  }
0x5a: {  	_ =	shalt  }
0x5b: {  	_ =	shalt  }
0x5c: {  	_ =	shalt  }
0x5d: {  	_ =	shalt  }
0x5e: {  	_ =	shalt  }
0x5f: {  	_ =	shalt  }
0x60: {  	_ =	shalt  }
0x61: {  	_ =	shalt  }
0x62: {  	_ =	shalt  }
0x63: {  	_ =	shalt  }
0x64: {  	_ =	shalt  }
0x65: {  	_ =	shalt  }
0x66: {  	_ =	shalt  }
0x67: {  	_ =	shalt  }
0x68: {  	_ =	shalt  }
0x69: {  	_ =	shalt  }
0x6a: {  	_ =	shalt  }
0x6b: {  	_ =	shalt  }
0x6c: {  	_ =	shalt  }
0x6d: {  	_ =	shalt  }
0x6e: {  	_ =	shalt  }
0x6f: {  	_ =	shalt  }
0x70: {  	_ =	shalt  }
0x71: {  	_ =	shalt  }
0x72: {  	_ =	shalt  }
0x73: {  	_ =	shalt  }
0x74: {  	_ =	shalt  }
0x75: {  	_ =	shalt  }
0x76: {  	_ =	shalt  }
0x77: {  	_ =	shalt  }
0x78: {  	_ =	shalt  }
0x79: {  	_ =	shalt  }
0x7a: {  	_ =	shalt  }
0x7b: {  	_ =	shalt  }
0x7c: {  	_ =	shalt  }
0x7d: {  	_ =	shalt  }
0x7e: {  	_ =	shalt  }
0x7f: {  	_ =	shalt  }
0x80: {  	_ =	shalt  }
0x81: {  	_ =	shalt  }
0x82: {  	_ =	shalt  }
0x83: {  	_ =	shalt  }
0x84: {  	_ =	shalt  }
0x85: {  	_ =	shalt  }
0x86: {  	_ =	shalt  }
0x87: {  	_ =	shalt  }
.Lfunc_end0:
.L_simem_size_0:
called_computation.1_lowered:
.L_overlay_start_0:
0x88: {  	s2 =	sld [smem:$0x3FD9]  }
0x89: {  	s3 =	sld [smem:$0x3FFE];
	_ =	sdelay $0x1  }
0x8a: {  	s1 =	srdreg.scid  }
0x8b: {  	s0 =	sand.u32 $0x1, s1  }
0x8c: {  	s14 =	sshll.u32 s0, $0xA;
	s2 =	sadd.s32 s3, s2  }
0x8d: {  	s2 =	sadd.s32 s2, s14  }
0x8e: {  	[smem:$0x3FB6] =	sst s2  }
0x8f: {  	_ = 	snop  }
0x90: {  	s2 =	sld [smem:$0x3FD0];
	_ =	sdelay $0x2  }
0x91: {  	s15 =	simm.s32 $0xA;
	s4 =	simm.s32 $0x10  }
0x92: {  	[smem:s4], [sflag:s15] =	dma.local [hbm:s2], $0x1  }
0x93: {  	_ =	swait.eq [sflag:s15], $0x1  }
0x94: {  	[sflag:s15] =	ssyncset.done $0x0  }
0x95: {  	s16 =	sld [smem:$0x11];
	[sflag:s15] =	ssyncadd.s32 $0xFFFFFFFF  }
0x96: {  	s17 =	sld [smem:$0x12];
	(tm) =	ssettm $0x1  }
0x97: {  	s18 =	sld [smem:$0x3FFB];
	_ =	sdelay $0x3  }
0x98: {  	_ =	strace s18  }
0x99: {  	s4 =	sld [smem:$0x3FFC];
	_ =	sdelay $0x3  }
0x9a: {  	_ =	strace s4  }
0x9b: {  	s4 =	sld [smem:$0x3FFD];
	_ =	sdelay $0x3  }
0x9c: {  	_ =	strace s4  }
0x9d: {  	_ =	strace $0x8FFFFFFF  }
0x9e: {  	s19 =	sld [smem:$0x3FDB];
	_ =	sdelay $0x1  }
0x9f: {  	s5 =	simm.s32 $_scs_section_size  }
0xa0: {  	s6 =	simm.s32 $_size__tile_overlayer_lowered;
	s7 =	simm.s32 $_tile_overlayer_lowered  }
0xa1: {  	s22 =	simm.s32 $0x1BFF;
	s21 =	sshll.u32 s7, $0x1;
	s4 =	sadd.s32 s5, s19  }
0xa2: {  	s8 =	simm.s32 $0x0;
	s20 =	sshll.u32 s6, $0x1;
	s6 =	sadd.s32 s21, s4  }
0xa3: {  	[timem:s8], [sflag:s22] =	dma.local [hbm:s6], s20  }
0xa4: {  	_ =	swait.ge [sflag:s22], s20  }
0xa5: {  	s5 =	ssub.s32 $0x0, s20;
	[sflag:s22] =	ssyncset.done $0x0  }
0xa6: {  	[sflag:s22] =	ssyncadd.s32 s5;
	_ =	sdelay $0x1  }
0xa7: {  	s23 =	simm.s32 $0x1B8B  }
0xa8: {  	_ =	swait.ge [sflag:s23], $0x1  }
0xa9: {  	[sflag:s23] =	ssyncset.done $0x0  }
0xaa: {  	s25 =	simm.s32 $0x1B8E;
	s24 =	sld [smem:$0x3FFE];
	[sflag:s23] =	ssyncadd.s32 $0xFFFFFFFF  }
0xab: {  	s26 =	simm.s32 $execute0_lowered;
	[smem:$0x3FD2] =	sst s25  }
0xac: {  	s6 =	sshll.u32 s26, $0x1;
	_ =	strace $0x80000049;
	[dreg:$0x1] =	wrdreg $0xFFFFFFFF  }
0xad: {  	s28 =	simm.s32 $_size_execute0_lowered;
	s4 =	sadd.s32 s4, s6;
	[dreg:$0x0] =	wrdreg $0x0  }
0xae: {  	s6 =	sshll.u32 s28, $0x1;
	[dreg:$0x2] =	wrdreg s4  }
0xaf: {  	[dreg:$0x3] =	wrdreg s6  }
0xb0: {  	[dreg:$0x4] =	wrdreg $0xC0  }
0xb1: {  	_ =	task [dreg:s8], $0x5FFFF  }
0xb2: {  	[dreg:$0x1] =	wrdreg $0xFFFFFFFF  }
0xb3: {  	[dreg:$0x0] =	wrdreg $0x60  }
0xb4: {  	[dreg:$0x2] =	wrdreg s24  }
0xb5: {  	[dreg:$0x3] =	wrdreg s16  }
0xb6: {  	[dreg:$0x4] =	wrdreg s17  }
0xb7: {  	[dreg:$0x5] =	wrdreg $0x0  }
0xb8: {  	[dreg:$0x6] =	wrdreg $0x9  }
0xb9: {  	_ =	task.clear_ibuf [dreg:s8], $0x7FFFF;
	_ =	strace $0x90000049  }
0xba: {  	s29 =	simm.s32 $0x9;
	_ =	strace $0x8000004B  }
0xbb: {  	_ =	swait.ge [sflag:s29], $0x1  }
0xbc: {  	[sflag:s29] =	ssyncadd.s32 $0xFFFFFFFF  }
0xbd: {  	_ =	strace $0x9000004B  }
0xbe: {  	_ =	sfence  }
0xbf: {  	s30 =	sld [smem:$0x0];
	_ =	sdelay $0x2  }
0xc0: {  	s31 =	sshll.u32 s1, $0xD;
	s1 =	sshrl.u32 s1, $0x2  }
0xc1: {  	s3 =	sand.u32 $0x4000, s31;
	s1 =	sadd.s32 s1, s30  }
0xc2: {  	s0 =	sor.u32 s3, s0;
	s1 =	sshll.u32 s1, $0x11  }
0xc3: {  	s0 =	sor.u32 s1, s0  }
0xc4: {  	s0 =	sadd.s32 $0x8F2B, s0  }
0xc5: {  	[sflag:s0] =	ssyncadd.remote.s32 $0x1  }
0xc6: {  	_ =	sfence.sel $0xFFFF  }
0xc7: {  	[dreg:$0x0] =	wrdreg $0xFFFFFFFF;
	(pc) =	sbr.abs _section_cstart, $3  }
0xc8: {  	[dreg:$0x1] =	wrdreg $0xFFFFFFFF  }
0xc9: {  	_ =	task.clear_ibuf [dreg:s8], $0x2FFFF;
	_ =	strace $0x9FFFFFFF  }
0xca: {  	(tm) =	ssettm $0x7FFFFFFF  }
0xcb: {  	_ =	shalt  }
tec
execute0_lowered:
.L_overlay_start_1:
0x0: {  	(tag) =	ssettag $0x1  }
0x1: {  	s5 =	rddreg [dreg:$0x0]  }
0x2: {  	s8 =	rddreg [dreg:$0x1]  }
0x3: {  	s9 =	rddreg [dreg:$0x2]  }
0x4: {  	s2 =	rddreg [dreg:$0x3]  }
0x5: {  	s0 =	rddreg [dreg:$0x4];
	s1 =	stileid.u32  }
0x6: {  	s4 =	srdreg.scid;
	s3 =	simm.s32 $0x0;
	s15 =	simm.s32 $0x18790  }
0x7: {  	s16 =	simm.s32 $0x1;
	s17 =	simm.s32 $0x0;
	s6 =	smul.u32 $0x15F90, s1  }
0x8: {  	s7 =	sand.u32 $0x1, s4;
	[smem:$0x7FF] =	sst s3;
	s4 =	sadd.s32 $0x4800, s5  }
0x9: {  	s12 =	sshll.u32 s1, $0x1;
	s30 =	sshll.u32 s1, $0x6;
	p0 =	seq.s32 s1, $0x0  }
0xa: {  	s10 =	smul.u32 $0x15F900, s7;
	_ =	strace $0x8000004A;
	s13 =	ssub.s32 $0x2, s7  }
0xb: {  	s7 =	sor.u32 s7, s12;
	s11 =	sshrl.u32 s6, $0x3;
	s28 =	sshrl.u32 s13, $0x1  }
0xc: {  	s12 =	smul.u32 $0x27, s7;
	s14 =	sadd.s32 s6, s2;
	s29 =	smin.u32 s7, $0x2  }
0xd: {  	s7 =	sor.u32 $0x1C02, s30;
	s11 =	sadd.s32 s11, s5;
	s10 =	sadd.s32 s6, s10  }
0xe: {  	s13 =	ssub.s32 s13, s28;
	s6 =	simm.s32 $0x28;
	s10 =	sshrl.u32 s10, $0x3  }
0xf: {  	s31 =	sadd.s32 s29, s12;
	s6 =	simm.s32 @!p0 $0x27;
	s12 =	sshrl.u32 s14, $0x3  }
0x10: {  	s10 =	sadd.s32 s10, s5;
	s5 =	sadd.s32 $0x30800, s11;
	s11 =	sshll.u32 s31, $0x4  }
0x11: {  	s14 =	simm.s32 $0x80;
	s8 =	sadd.s32 s8, s11;
	s9 =	sadd.s32 s9, s11  }
0x12: {  	s10 =	sadd.s32 $0x5C800, s10;
	s11 =	smax.u32 s13, $0x1;
	s13 =	simm.s32 $0x2  }
.LBB2_1:
0x13: {  	[spmem:s12], [sflag:s7] =	dma.local [hbm:s5], $0x2BF2  }
0x14: {  	_ =	swait.ge [sflag:s13], $0x2BF2  }
0x15: {  	[sflag:s13] =	ssyncset.done $0x0  }
0x16: {  	[sflag:s13] =	ssyncadd.s32 $0xFFFFD40E  }
0x17: {  	s18 =	simm.s32 $0x15F90;
	[bflag:$0x0] =	sbarrier.arrive $0xFFFF  }
0x18: {  	[tilespmem:s18], [sflag:$0x2] =	stream.linear.gather [hbm4b:s8+s3], $0x1400, $0x38;
	[tilespmem:$0x1CF90] =	vst v63  }
0x19: {  	_ =	swait.ge [sflag:s13], $0x1400  }
0x1a: {  	[sflag:s13] =	ssyncset.done $0x0  }
0x1b: {  	s19 =	simm.s32 $0x17390;
	[sflag:s13] =	ssyncadd.s32 $0xFFFFEC00  }
0x1c: {  	[tilespmem:s19], [sflag:$0x2] =	stream.linear.gather [hbm4b:s9+s3], $0x1400, $0x38;
	[tilespmem:$0x1CF90] =	vst v63  }
0x1d: {  	_ =	swait.ge [sflag:s13], $0x1400  }
0x1e: {  	[sflag:s13] =	ssyncset.done $0x0  }
0x1f: {  	[sflag:s13] =	ssyncadd.s32 $0xFFFFEC00  }
0x20: {  	[tilespmem:s15], [sflag:$0x1] =	stream.indirect.gather [hbm4b:s4+s14], $0x90, s18, s14, $0xb8;
	[tilespmem:$0x1CF90] =	vst v63  }
0x21: {  	p0 =	sne.s32 s6, $0x1;
	_ =	swait.ge [sflag:s16], $0x4800  }
.Ltmp0:
0x22: {  	[sflag:s16] =	ssyncset.done $0x0;
	(pc) =	sbr.rel @!p0 .LBB2_3-.Ltmp0, $4  }
0x23: {  	[sflag:s16] =	ssyncadd.s32 $0xFFFFB800  }
0x24: {  	[spmem:s2] =	stream.indirect.scatter.add.f32 [tilespmem:s15], [sflag:$0x2], $0x90, s19, s14, $0xb8;
	[tilespmem:$0x1CF90] =	vst v63  }
0x25: {  	_ =	swait.ge [sflag:s13], $0x4800  }
0x26: {  	s20 =	sadd.s32 $0xFFFFFFFF, s6;
	[sflag:s13] =	ssyncset.done $0x0  }
.LBB2_2:
0x27: {  	[sflag:s13] =	ssyncadd.s32 $0xFFFFB800;
	s18 =	sadd.s32 $0x80, s18;
	s19 =	sadd.s32 $0x80, s19  }
0x28: {  	[tilespmem:s15], [sflag:$0x1] =	stream.indirect.gather [hbm4b:s4+s14], $0x90, s18, s14, $0xb8;
	[tilespmem:$0x1CF90] =	vst v63  }
0x29: {  	p0 =	sne.s32 s20, $0x1;
	s20 =	sadd.s32 $0xFFFFFFFF, s20;
	_ =	swait.ge [sflag:s16], $0x4800  }
.Ltmp1:
0x2a: {  	[sflag:s16] =	ssyncset.done $0x0;
	(pc) =	sbr.rel @p0 .LBB2_2-.Ltmp1, $4  }
0x2b: {  	[sflag:s16] =	ssyncadd.s32 $0xFFFFB800  }
0x2c: {  	[spmem:s2] =	stream.indirect.scatter.add.f32 [tilespmem:s15], [sflag:$0x2], $0x90, s19, s14, $0xb8;
	[tilespmem:$0x1CF90] =	vst v63  }
0x2d: {  	_ =	swait.ge [sflag:s13], $0x4800  }
0x2e: {  	[sflag:s13] =	ssyncset.done $0x0  }
.LBB2_3:
0x2f: {  	s17 =	sadd.s32 $0x1, s17  }
0x30: {  	[sflag:s13] =	ssyncadd.s32 $0xFFFFB800;
	p0 =	sne.s32 s17, s11  }
.Ltmp2:
0x31: {  	[bflag:$0x0] =	sbarrier.arrive $0xFFFF;
	(pc) =	sbr.rel @p0 .LBB2_1-.Ltmp2, $4  }
0x32: {  	[hbm:s10], [sflag:s7] =	dma.local [spmem:s12], $0x2BF2  }
0x33: {  	_ =	swait.ge [sflag:s13], $0x2BF2  }
0x34: {  	[sflag:s13] =	ssyncset.done $0x0  }
0x35: {  	[sflag:s13] =	ssyncadd.s32 $0xFFFFD40E  }
0x36: {  	_ =	sfence.sel $0x180000  }
0x37: {  	[bflag:$0x0] =	sbarrier.arrive $0xFFFF  }
0x38: {  	p0 =	sne.s32 s1, $0x0;
	_ =	strace $0x9000004A  }
0x39: {  	s0 =	sadd.s32 @!p0 $0x100000, s0;
	[bflag:$0x2] =	sbarrier.arrive $0xFFFF  }
0x3a: {  	[sflag:s0] =	ssyncadd.tile.s32 @!p0 $0x1;
	_ =	shalt  }
.Lfunc_end2:
_tile_overlayer_lowered:
.L_overlay_start_2:
0x3b: {  	(tag) =	ssettag $0x2  }
0x3c: {  	s0 =	rddreg [dreg:$0x0];
	s2 =	stileid.u32  }
0x3d: {  	s1 =	rddreg [dreg:$0x1];
	p0 =	sne.s32 s2, $0x0  }
0x3e: {  	s3 =	rddreg [dreg:$0x2];
	[bflag:$0x3] =	sbarrier.arrive $0xFFFF;
	s2 =	simm.s32 @!p0 $0x1C02  }
0x3f: {  	[timem:s3], [sflag:s2] =	dma.local @!p0 [hbm:s0], s1  }
0x40: {  	s0 =	simm.s32 @!p0 $0x2  }
0x41: {  	_ =	swait.ge @!p0 [sflag:s0], s1  }
0x42: {  	s1 =	ssub.s32 @!p0 $0x0, s1;
	[sflag:s0] =	ssyncset.done @!p0 $0x0  }
0x43: {  	[sflag:s0] =	ssyncadd.s32 @!p0 s1  }
0x44: {  	[bflag:$0x3] =	sbarrier.arrive $0xFFFF  }
0x45: {  	_ =	shalt  }

// kernel: kernel.19.cloned.1.call-start
scs
__scs_entry_jumppad:
0x0: {  	(pc) =	sbr.rel $0x88, $3  }
0x1: {  	(tag) =	ssettag $0x0;
	lr =	simm.s32 $0x1  }
0x2: {  	[smem:$0x3F8F] =	sst lr;
	_ =	strace $0xD0000000  }
0x3: {  	_ = 	snop  }
0x4: {  	_ = 	snop  }
0x5: {  	_ = 	snop  }
0x6: {  	_ = 	snop  }
0x7: {  	_ = 	snop  }
__scs_overlays_trampoline_lowered:
0x8: {  	[smem:$0x3F9E] =	sst s0  }
0x9: {  	[smem:$0x3F9F] =	sst s1  }
0xa: {  	[smem:$0x3FA0] =	sst s2  }
0xb: {  	[smem:$0x3FA1] =	sst s3  }
0xc: {  	[smem:$0x3FA2] =	sst s4  }
0xd: {  	[smem:$0x3FA3] =	sst s5  }
0xe: {  	[smem:$0x3FA4] =	sst s6  }
0xf: {  	[smem:$0x3FA5] =	sst s7  }
0x10: {  	[smem:$0x3FA6] =	sst s8  }
0x11: {  	[smem:$0x3FA7] =	sst s9;
	s0 =	simm.s32 @!p0 $0x0  }
0x12: {  	s1 =	sld [smem:$0x3F8D];
	s0 =	simm.s32 @p0 $0x1  }
0x13: {  	[smem:$0x3FA8] =	sst s0;
	s0 =	simm.s32 @!p1 $0x0  }
0x14: {  	s2 =	sld [smem:$0x3F8C];
	s0 =	simm.s32 @p1 $0x1  }
0x15: {  	[smem:$0x3FA9] =	sst s0;
	s0 =	simm.s32 @!p2 $0x0  }
0x16: {  	s3 =	sld [smem:$0x3FDB];
	s0 =	simm.s32 @p2 $0x1  }
0x17: {  	s4 =	simm.s32 $0x1BF5;
	[smem:$0x3FAB] =	sst s0  }
0x18: {  	s0 =	sld [smem:$0x3F8E];
	_ =	swait.ge [sflag:s4], $0x0  }
0x19: {  	s7 =	sld [smem:$0x3F8F]  }
0x1a: {  	s8 =	sadd.s32 $0xFFFFE003, lr  }
0x1b: {  	s9 =	sadd.s32 $0xFFFFFEF7, lr;
	s5 =	simm.s32 $0xFFFFFFFF;
	p2 =	slt.u32 s8, $0xFFFFF086  }
0x1c: {  	p1 =	slt.u32 s9, $0xF7A;
	s5 =	simm.s32 @!p2 $0x0  }
0x1d: {  	s5 =	simm.s32 @p1 $0x1;
	p0 =	seq.s32 s7, s2  }
0x1e: {  	s7 =	smul.u32 @!p0 $0xF7A, s2;
	p2 =	seq.s32 @!p0 s5, $0x0  }
0x1f: {  	s9 =	smul.u32 $0xF7A, s1;
	s8 =	simm.s32 @!p0 $0x1BF5;
	p2 =	por !p2, p0  }
0x20: {  	[sflag:s8] =	ssyncset.s32 @!p0 $0xFFFFF086;
	s6 =	sadd.s32 @!p0 s3, s7;
	s7 =	simm.s32 @!p0 $0x108  }
0x21: {  	s3 =	sadd.s32 s3, s9;
	s6 =	sadd.s32 @!p0 $0x88, s6;
	s7 =	simm.s32 @p2 $0x1082  }
0x22: {  	[simem:s7], [sflag:s8] =	dma.local @!p0 [hbm:s6], $0xF7A  }
0x23: {  	s9 =	sor.u32 $0xD0000000, s2;
	s6 =	simm.s32 $0x108;
	_ =	swait.ge @!p0 [sflag:s8], $0x0  }
0x24: {  	s3 =	sadd.s32 $0x88, s3;
	s6 =	simm.s32 @!p1 $0x1082;
	[sflag:s4] =	ssyncset.s32 $0xFFFFF086  }
0x25: {  	[simem:s6], [sflag:s4] =	dma.local [hbm:s3], $0xF7A  }
0x26: {  	[smem:$0x3F8F] =	sst s1;
	(tag) =	ssettag s2;
	_ =	strace s9  }
0x27: {  	s1 =	sld [smem:$0x3F9F]  }
0x28: {  	s2 =	sld [smem:$0x3FA0]  }
0x29: {  	s4 =	sld [smem:$0x3FA2]  }
0x2a: {  	p0 =	seq.s32 s5, $0x0;
	s5 =	sld [smem:$0x3FA3]  }
0x2b: {  	s6 =	sld [smem:$0x3FA4]  }
0x2c: {  	s7 =	sld [smem:$0x3FA5]  }
0x2d: {  	s3 =	simm.s32 $0x108;
	s8 =	sld [smem:$0x3FA6]  }
0x2e: {  	s3 =	simm.s32 @!p0 $0x1082;
	s9 =	sld [smem:$0x3FA7]  }
0x2f: {  	lr =	sadd.s32 s0, s3;
	s0 =	sld [smem:$0x3F9E]  }
0x30: {  	s3 =	sld [smem:$0x3FA1]  }
0x31: {  	[smem:$0x3FAA] =	sst s10  }
0x32: {  	s10 =	sld [smem:$0x3FA8];
	_ =	sdelay $0x3  }
0x33: {  	p0 =	seq.s32 s10, $0x1;
	s10 =	sld [smem:$0x3FAA];
	_ =	sdelay $0x3  }
0x34: {  	[smem:$0x3FAA] =	sst s10  }
0x35: {  	s10 =	sld [smem:$0x3FA9];
	_ =	sdelay $0x3  }
0x36: {  	p1 =	seq.s32 s10, $0x1;
	s10 =	sld [smem:$0x3FAA];
	_ =	sdelay $0x3  }
0x37: {  	[smem:$0x3FAA] =	sst s10  }
0x38: {  	s10 =	sld [smem:$0x3FAB]  }
0x39: {  	_ = 	snop;
	(pc) =	sbr.ind lr, $3  }
0x3a: {  	_ = 	snop  }
0x3b: {  	_ = 	snop  }
0x3c: {  	p2 =	seq.s32 s10, $0x1;
	s10 =	sld [smem:$0x3FAA]  }
0x3d: {  	_ =	shalt  }
0x3e: {  	_ =	shalt  }
0x3f: {  	_ =	shalt  }
0x40: {  	_ =	shalt  }
0x41: {  	_ =	shalt  }
0x42: {  	_ =	shalt  }
0x43: {  	_ =	shalt  }
0x44: {  	_ =	shalt  }
0x45: {  	_ =	shalt  }
0x46: {  	_ =	shalt  }
0x47: {  	_ =	shalt  }
0x48: {  	_ =	shalt  }
0x49: {  	_ =	shalt  }
0x4a: {  	_ =	shalt  }
0x4b: {  	_ =	shalt  }
0x4c: {  	_ =	shalt  }
0x4d: {  	_ =	shalt  }
0x4e: {  	_ =	shalt  }
0x4f: {  	_ =	shalt  }
0x50: {  	_ =	shalt  }
0x51: {  	_ =	shalt  }
0x52: {  	_ =	shalt  }
0x53: {  	_ =	shalt  }
0x54: {  	_ =	shalt  }
0x55: {  	_ =	shalt  }
0x56: {  	_ =	shalt  }
0x57: {  	_ =	shalt  }
0x58: {  	_ =	shalt  }
0x59: {  	_ =	shalt  }
0x5a: {  	_ =	shalt  }
0x5b: {  	_ =	shalt  }
0x5c: {  	_ =	shalt  }
0x5d: {  	_ =	shalt  }
0x5e: {  	_ =	shalt  }
0x5f: {  	_ =	shalt  }
0x60: {  	_ =	shalt  }
0x61: {  	_ =	shalt  }
0x62: {  	_ =	shalt  }
0x63: {  	_ =	shalt  }
0x64: {  	_ =	shalt  }
0x65: {  	_ =	shalt  }
0x66: {  	_ =	shalt  }
0x67: {  	_ =	shalt  }
0x68: {  	_ =	shalt  }
0x69: {  	_ =	shalt  }
0x6a: {  	_ =	shalt  }
0x6b: {  	_ =	shalt  }
0x6c: {  	_ =	shalt  }
0x6d: {  	_ =	shalt  }
0x6e: {  	_ =	shalt  }
0x6f: {  	_ =	shalt  }
0x70: {  	_ =	shalt  }
0x71: {  	_ =	shalt  }
0x72: {  	_ =	shalt  }
0x73: {  	_ =	shalt  }
0x74: {  	_ =	shalt  }
0x75: {  	_ =	shalt  }
0x76: {  	_ =	shalt  }
0x77: {  	_ =	shalt  }
0x78: {  	_ =	shalt  }
0x79: {  	_ =	shalt  }
0x7a: {  	_ =	shalt  }
0x7b: {  	_ =	shalt  }
0x7c: {  	_ =	shalt  }
0x7d: {  	_ =	shalt  }
0x7e: {  	_ =	shalt  }
0x7f: {  	_ =	shalt  }
0x80: {  	_ =	shalt  }
0x81: {  	_ =	shalt  }
0x82: {  	_ =	shalt  }
0x83: {  	_ =	shalt  }
0x84: {  	_ =	shalt  }
0x85: {  	_ =	shalt  }
0x86: {  	_ =	shalt  }
0x87: {  	_ =	shalt  }
.Lfunc_end0:
.L_simem_size_0:
called_computation.2_lowered:
.L_overlay_start_0:
0x88: {  	s2 =	sld [smem:$0x3FD9]  }
0x89: {  	s3 =	sld [smem:$0x3FFE];
	_ =	sdelay $0x1  }
0x8a: {  	s1 =	srdreg.scid  }
0x8b: {  	s0 =	sand.u32 $0x1, s1  }
0x8c: {  	s14 =	sshll.u32 s0, $0xA;
	s2 =	sadd.s32 s3, s2  }
0x8d: {  	s2 =	sadd.s32 s2, s14  }
0x8e: {  	[smem:$0x3FB6] =	sst s2  }
0x8f: {  	_ = 	snop  }
0x90: {  	s2 =	sld [smem:$0x3FD0];
	_ =	sdelay $0x2  }
0x91: {  	s15 =	simm.s32 $0xA;
	s4 =	simm.s32 $0x10  }
0x92: {  	[smem:s4], [sflag:s15] =	dma.local [hbm:s2], $0x1  }
0x93: {  	_ =	swait.eq [sflag:s15], $0x1  }
0x94: {  	[sflag:s15] =	ssyncset.done $0x0  }
0x95: {  	s16 =	sld [smem:$0x11];
	[sflag:s15] =	ssyncadd.s32 $0xFFFFFFFF  }
0x96: {  	s17 =	sld [smem:$0x12];
	(tm) =	ssettm $0x1  }
0x97: {  	s18 =	sld [smem:$0x3FFB];
	_ =	sdelay $0x3  }
0x98: {  	_ =	strace s18  }
0x99: {  	s4 =	sld [smem:$0x3FFC];
	_ =	sdelay $0x3  }
0x9a: {  	_ =	strace s4  }
0x9b: {  	s4 =	sld [smem:$0x3FFD];
	_ =	sdelay $0x3  }
0x9c: {  	_ =	strace s4  }
0x9d: {  	_ =	strace $0x8FFFFFFF  }
0x9e: {  	s19 =	sld [smem:$0x3FDB];
	_ =	sdelay $0x1  }
0x9f: {  	s5 =	simm.s32 $_scs_section_size  }
0xa0: {  	s6 =	simm.s32 $_size__tile_overlayer_lowered;
	s7 =	simm.s32 $_tile_overlayer_lowered  }
0xa1: {  	s22 =	simm.s32 $0x1BFF;
	s21 =	sshll.u32 s7, $0x1;
	s4 =	sadd.s32 s5, s19  }
0xa2: {  	s8 =	simm.s32 $0x0;
	s20 =	sshll.u32 s6, $0x1;
	s6 =	sadd.s32 s21, s4  }
0xa3: {  	[timem:s8], [sflag:s22] =	dma.local [hbm:s6], s20  }
0xa4: {  	_ =	swait.ge [sflag:s22], s20  }
0xa5: {  	s5 =	ssub.s32 $0x0, s20;
	[sflag:s22] =	ssyncset.done $0x0  }
0xa6: {  	[sflag:s22] =	ssyncadd.s32 s5;
	_ =	sdelay $0x1  }
0xa7: {  	s23 =	simm.s32 $0x1B8B  }
0xa8: {  	_ =	swait.ge [sflag:s23], $0x1  }
0xa9: {  	[sflag:s23] =	ssyncset.done $0x0  }
0xaa: {  	s25 =	simm.s32 $0x1B8E;
	s24 =	sld [smem:$0x3FFE];
	[sflag:s23] =	ssyncadd.s32 $0xFFFFFFFF  }
0xab: {  	s26 =	simm.s32 $execute0_lowered;
	[smem:$0x3FD2] =	sst s25  }
0xac: {  	s6 =	sshll.u32 s26, $0x1;
	_ =	strace $0x8000004C;
	[dreg:$0x1] =	wrdreg $0xFFFFFFFF  }
0xad: {  	s28 =	simm.s32 $_size_execute0_lowered;
	s4 =	sadd.s32 s4, s6;
	[dreg:$0x0] =	wrdreg $0x0  }
0xae: {  	s6 =	sshll.u32 s28, $0x1;
	[dreg:$0x2] =	wrdreg s4  }
0xaf: {  	[dreg:$0x3] =	wrdreg s6  }
0xb0: {  	[dreg:$0x4] =	wrdreg $0xC0  }
0xb1: {  	_ =	task [dreg:s8], $0x5FFFF  }
0xb2: {  	[dreg:$0x1] =	wrdreg $0xFFFFFFFF  }
0xb3: {  	[dreg:$0x0] =	wrdreg $0x60  }
0xb4: {  	[dreg:$0x2] =	wrdreg s24  }
0xb5: {  	[dreg:$0x3] =	wrdreg s17  }
0xb6: {  	[dreg:$0x4] =	wrdreg s16  }
0xb7: {  	[dreg:$0x5] =	wrdreg $0x0  }
0xb8: {  	[dreg:$0x6] =	wrdreg $0x9  }
0xb9: {  	_ =	task.clear_ibuf [dreg:s8], $0x7FFFF;
	_ =	strace $0x9000004C  }
0xba: {  	s29 =	simm.s32 $0x9;
	_ =	strace $0x8000004E  }
0xbb: {  	_ =	swait.ge [sflag:s29], $0x1  }
0xbc: {  	[sflag:s29] =	ssyncadd.s32 $0xFFFFFFFF  }
0xbd: {  	_ =	strace $0x9000004E  }
0xbe: {  	_ =	sfence  }
0xbf: {  	s30 =	sld [smem:$0x0];
	_ =	sdelay $0x2  }
0xc0: {  	s31 =	sshll.u32 s1, $0xD;
	s1 =	sshrl.u32 s1, $0x2  }
0xc1: {  	s3 =	sand.u32 $0x4000, s31;
	s1 =	sadd.s32 s1, s30  }
0xc2: {  	s0 =	sor.u32 s3, s0;
	s1 =	sshll.u32 s1, $0x11  }
0xc3: {  	s0 =	sor.u32 s1, s0  }
0xc4: {  	s0 =	sadd.s32 $0x8F2B, s0  }
0xc5: {  	[sflag:s0] =	ssyncadd.remote.s32 $0x1  }
0xc6: {  	_ =	sfence.sel $0xFFFF  }
0xc7: {  	[dreg:$0x0] =	wrdreg $0xFFFFFFFF;
	(pc) =	sbr.abs _section_cstart, $3  }
0xc8: {  	[dreg:$0x1] =	wrdreg $0xFFFFFFFF  }
0xc9: {  	_ =	task.clear_ibuf [dreg:s8], $0x2FFFF;
	_ =	strace $0x9FFFFFFF  }
0xca: {  	(tm) =	ssettm $0x7FFFFFFF  }
0xcb: {  	_ =	shalt  }
tec
execute0_lowered:
.L_overlay_start_1:
0x0: {  	(tag) =	ssettag $0x1  }
0x1: {  	s5 =	rddreg [dreg:$0x0]  }
0x2: {  	s8 =	rddreg [dreg:$0x1]  }
0x3: {  	s9 =	rddreg [dreg:$0x2]  }
0x4: {  	s2 =	rddreg [dreg:$0x3]  }
0x5: {  	s0 =	rddreg [dreg:$0x4];
	s1 =	stileid.u32  }
0x6: {  	s4 =	srdreg.scid;
	s3 =	simm.s32 $0x0;
	s15 =	simm.s32 $0x18790  }
0x7: {  	s16 =	simm.s32 $0x1;
	s17 =	simm.s32 $0x0;
	s6 =	smul.u32 $0x15F90, s1  }
0x8: {  	s7 =	sand.u32 $0x1, s4;
	[smem:$0x7FF] =	sst s3;
	s4 =	sadd.s32 $0x4800, s5  }
0x9: {  	s12 =	sshll.u32 s1, $0x1;
	s30 =	sshll.u32 s1, $0x6;
	p0 =	seq.s32 s1, $0x0  }
0xa: {  	s10 =	smul.u32 $0x15F900, s7;
	_ =	strace $0x8000004D;
	s13 =	ssub.s32 $0x2, s7  }
0xb: {  	s7 =	sor.u32 s7, s12;
	s11 =	sshrl.u32 s6, $0x3;
	s28 =	sshrl.u32 s13, $0x1  }
0xc: {  	s12 =	smul.u32 $0x27, s7;
	s14 =	sadd.s32 s6, s2;
	s29 =	smin.u32 s7, $0x2  }
0xd: {  	s7 =	sor.u32 $0x1C02, s30;
	s11 =	sadd.s32 s11, s5;
	s10 =	sadd.s32 s6, s10  }
0xe: {  	s13 =	ssub.s32 s13, s28;
	s6 =	simm.s32 $0x28;
	s10 =	sshrl.u32 s10, $0x3  }
0xf: {  	s31 =	sadd.s32 s29, s12;
	s6 =	simm.s32 @!p0 $0x27;
	s12 =	sshrl.u32 s14, $0x3  }
0x10: {  	s10 =	sadd.s32 s10, s5;
	s5 =	sadd.s32 $0x30800, s11;
	s11 =	sshll.u32 s31, $0x4  }
0x11: {  	s14 =	simm.s32 $0x80;
	s8 =	sadd.s32 s8, s11;
	s9 =	sadd.s32 s9, s11  }
0x12: {  	s10 =	sadd.s32 $0x5C800, s10;
	s11 =	smax.u32 s13, $0x1;
	s13 =	simm.s32 $0x2  }
.LBB2_1:
0x13: {  	[spmem:s12], [sflag:s7] =	dma.local [hbm:s5], $0x2BF2  }
0x14: {  	_ =	swait.ge [sflag:s13], $0x2BF2  }
0x15: {  	[sflag:s13] =	ssyncset.done $0x0  }
0x16: {  	[sflag:s13] =	ssyncadd.s32 $0xFFFFD40E  }
0x17: {  	s18 =	simm.s32 $0x15F90;
	[bflag:$0x0] =	sbarrier.arrive $0xFFFF  }
0x18: {  	[tilespmem:s18], [sflag:$0x2] =	stream.linear.gather [hbm4b:s8+s3], $0x1400, $0x38;
	[tilespmem:$0x1CF90] =	vst v63  }
0x19: {  	_ =	swait.ge [sflag:s13], $0x1400  }
0x1a: {  	[sflag:s13] =	ssyncset.done $0x0  }
0x1b: {  	s19 =	simm.s32 $0x17390;
	[sflag:s13] =	ssyncadd.s32 $0xFFFFEC00  }
0x1c: {  	[tilespmem:s19], [sflag:$0x2] =	stream.linear.gather [hbm4b:s9+s3], $0x1400, $0x38;
	[tilespmem:$0x1CF90] =	vst v63  }
0x1d: {  	_ =	swait.ge [sflag:s13], $0x1400  }
0x1e: {  	[sflag:s13] =	ssyncset.done $0x0  }
0x1f: {  	[sflag:s13] =	ssyncadd.s32 $0xFFFFEC00  }
0x20: {  	[tilespmem:s15], [sflag:$0x1] =	stream.indirect.gather [hbm4b:s4+s14], $0x90, s18, s14, $0xb8;
	[tilespmem:$0x1CF90] =	vst v63  }
0x21: {  	p0 =	sne.s32 s6, $0x1;
	_ =	swait.ge [sflag:s16], $0x4800  }
.Ltmp0:
0x22: {  	[sflag:s16] =	ssyncset.done $0x0;
	(pc) =	sbr.rel @!p0 .LBB2_3-.Ltmp0, $4  }
0x23: {  	[sflag:s16] =	ssyncadd.s32 $0xFFFFB800  }
0x24: {  	[spmem:s2] =	stream.indirect.scatter.add.f32 [tilespmem:s15], [sflag:$0x2], $0x90, s19, s14, $0xb8;
	[tilespmem:$0x1CF90] =	vst v63  }
0x25: {  	_ =	swait.ge [sflag:s13], $0x4800  }
0x26: {  	s20 =	sadd.s32 $0xFFFFFFFF, s6;
	[sflag:s13] =	ssyncset.done $0x0  }
.LBB2_2:
0x27: {  	[sflag:s13] =	ssyncadd.s32 $0xFFFFB800;
	s18 =	sadd.s32 $0x80, s18;
	s19 =	sadd.s32 $0x80, s19  }
0x28: {  	[tilespmem:s15], [sflag:$0x1] =	stream.indirect.gather [hbm4b:s4+s14], $0x90, s18, s14, $0xb8;
	[tilespmem:$0x1CF90] =	vst v63  }
0x29: {  	p0 =	sne.s32 s20, $0x1;
	s20 =	sadd.s32 $0xFFFFFFFF, s20;
	_ =	swait.ge [sflag:s16], $0x4800  }
.Ltmp1:
0x2a: {  	[sflag:s16] =	ssyncset.done $0x0;
	(pc) =	sbr.rel @p0 .LBB2_2-.Ltmp1, $4  }
0x2b: {  	[sflag:s16] =	ssyncadd.s32 $0xFFFFB800  }
0x2c: {  	[spmem:s2] =	stream.indirect.scatter.add.f32 [tilespmem:s15], [sflag:$0x2], $0x90, s19, s14, $0xb8;
	[tilespmem:$0x1CF90] =	vst v63  }
0x2d: {  	_ =	swait.ge [sflag:s13], $0x4800  }
0x2e: {  	[sflag:s13] =	ssyncset.done $0x0  }
.LBB2_3:
0x2f: {  	s17 =	sadd.s32 $0x1, s17  }
0x30: {  	[sflag:s13] =	ssyncadd.s32 $0xFFFFB800;
	p0 =	sne.s32 s17, s11  }
.Ltmp2:
0x31: {  	[bflag:$0x0] =	sbarrier.arrive $0xFFFF;
	(pc) =	sbr.rel @p0 .LBB2_1-.Ltmp2, $4  }
0x32: {  	[hbm:s10], [sflag:s7] =	dma.local [spmem:s12], $0x2BF2  }
0x33: {  	_ =	swait.ge [sflag:s13], $0x2BF2  }
0x34: {  	[sflag:s13] =	ssyncset.done $0x0  }
0x35: {  	[sflag:s13] =	ssyncadd.s32 $0xFFFFD40E  }
0x36: {  	_ =	sfence.sel $0x180000  }
0x37: {  	[bflag:$0x0] =	sbarrier.arrive $0xFFFF  }
0x38: {  	p0 =	sne.s32 s1, $0x0;
	_ =	strace $0x9000004D  }
0x39: {  	s0 =	sadd.s32 @!p0 $0x100000, s0;
	[bflag:$0x2] =	sbarrier.arrive $0xFFFF  }
0x3a: {  	[sflag:s0] =	ssyncadd.tile.s32 @!p0 $0x1;
	_ =	shalt  }
.Lfunc_end2:
_tile_overlayer_lowered:
.L_overlay_start_2:
0x3b: {  	(tag) =	ssettag $0x2  }
0x3c: {  	s0 =	rddreg [dreg:$0x0];
	s2 =	stileid.u32  }
0x3d: {  	s1 =	rddreg [dreg:$0x1];
	p0 =	sne.s32 s2, $0x0  }
0x3e: {  	s3 =	rddreg [dreg:$0x2];
	[bflag:$0x3] =	sbarrier.arrive $0xFFFF;
	s2 =	simm.s32 @!p0 $0x1C02  }
0x3f: {  	[timem:s3], [sflag:s2] =	dma.local @!p0 [hbm:s0], s1  }
0x40: {  	s0 =	simm.s32 @!p0 $0x2  }
0x41: {  	_ =	swait.ge @!p0 [sflag:s0], s1  }
0x42: {  	s1 =	ssub.s32 @!p0 $0x0, s1;
	[sflag:s0] =	ssyncset.done @!p0 $0x0  }
0x43: {  	[sflag:s0] =	ssyncadd.s32 @!p0 s1  }
0x44: {  	[bflag:$0x3] =	sbarrier.arrive $0xFFFF  }
0x45: {  	_ =	shalt  }

// kernel: kernel.22.cloned.1.call-start
scs
__scs_entry_jumppad:
0x0: {  	(pc) =	sbr.rel $0x88, $3  }
0x1: {  	(tag) =	ssettag $0x0;
	lr =	simm.s32 $0x1  }
0x2: {  	[smem:$0x3F8F] =	sst lr;
	_ =	strace $0xD0000000  }
0x3: {  	_ = 	snop  }
0x4: {  	_ = 	snop  }
0x5: {  	_ = 	snop  }
0x6: {  	_ = 	snop  }
0x7: {  	_ = 	snop  }
__scs_overlays_trampoline_lowered:
0x8: {  	[smem:$0x3F9E] =	sst s0  }
0x9: {  	[smem:$0x3F9F] =	sst s1  }
0xa: {  	[smem:$0x3FA0] =	sst s2  }
0xb: {  	[smem:$0x3FA1] =	sst s3  }
0xc: {  	[smem:$0x3FA2] =	sst s4  }
0xd: {  	[smem:$0x3FA3] =	sst s5  }
0xe: {  	[smem:$0x3FA4] =	sst s6  }
0xf: {  	[smem:$0x3FA5] =	sst s7  }
0x10: {  	[smem:$0x3FA6] =	sst s8  }
0x11: {  	[smem:$0x3FA7] =	sst s9;
	s0 =	simm.s32 @!p0 $0x0  }
0x12: {  	s1 =	sld [smem:$0x3F8D];
	s0 =	simm.s32 @p0 $0x1  }
0x13: {  	[smem:$0x3FA8] =	sst s0;
	s0 =	simm.s32 @!p1 $0x0  }
0x14: {  	s2 =	sld [smem:$0x3F8C];
	s0 =	simm.s32 @p1 $0x1  }
0x15: {  	[smem:$0x3FA9] =	sst s0;
	s0 =	simm.s32 @!p2 $0x0  }
0x16: {  	s3 =	sld [smem:$0x3FDB];
	s0 =	simm.s32 @p2 $0x1  }
0x17: {  	s4 =	simm.s32 $0x1BF5;
	[smem:$0x3FAB] =	sst s0  }
0x18: {  	s0 =	sld [smem:$0x3F8E];
	_ =	swait.ge [sflag:s4], $0x0  }
0x19: {  	s7 =	sld [smem:$0x3F8F]  }
0x1a: {  	s8 =	sadd.s32 $0xFFFFE003, lr  }
0x1b: {  	s9 =	sadd.s32 $0xFFFFFEF7, lr;
	s5 =	simm.s32 $0xFFFFFFFF;
	p2 =	slt.u32 s8, $0xFFFFF086  }
0x1c: {  	p1 =	slt.u32 s9, $0xF7A;
	s5 =	simm.s32 @!p2 $0x0  }
0x1d: {  	s5 =	simm.s32 @p1 $0x1;
	p0 =	seq.s32 s7, s2  }
0x1e: {  	s7 =	smul.u32 @!p0 $0xF7A, s2;
	p2 =	seq.s32 @!p0 s5, $0x0  }
0x1f: {  	s9 =	smul.u32 $0xF7A, s1;
	s8 =	simm.s32 @!p0 $0x1BF5;
	p2 =	por !p2, p0  }
0x20: {  	[sflag:s8] =	ssyncset.s32 @!p0 $0xFFFFF086;
	s6 =	sadd.s32 @!p0 s3, s7;
	s7 =	simm.s32 @!p0 $0x108  }
0x21: {  	s3 =	sadd.s32 s3, s9;
	s6 =	sadd.s32 @!p0 $0x88, s6;
	s7 =	simm.s32 @p2 $0x1082  }
0x22: {  	[simem:s7], [sflag:s8] =	dma.local @!p0 [hbm:s6], $0xF7A  }
0x23: {  	s9 =	sor.u32 $0xD0000000, s2;
	s6 =	simm.s32 $0x108;
	_ =	swait.ge @!p0 [sflag:s8], $0x0  }
0x24: {  	s3 =	sadd.s32 $0x88, s3;
	s6 =	simm.s32 @!p1 $0x1082;
	[sflag:s4] =	ssyncset.s32 $0xFFFFF086  }
0x25: {  	[simem:s6], [sflag:s4] =	dma.local [hbm:s3], $0xF7A  }
0x26: {  	[smem:$0x3F8F] =	sst s1;
	(tag) =	ssettag s2;
	_ =	strace s9  }
0x27: {  	s1 =	sld [smem:$0x3F9F]  }
0x28: {  	s2 =	sld [smem:$0x3FA0]  }
0x29: {  	s4 =	sld [smem:$0x3FA2]  }
0x2a: {  	p0 =	seq.s32 s5, $0x0;
	s5 =	sld [smem:$0x3FA3]  }
0x2b: {  	s6 =	sld [smem:$0x3FA4]  }
0x2c: {  	s7 =	sld [smem:$0x3FA5]  }
0x2d: {  	s3 =	simm.s32 $0x108;
	s8 =	sld [smem:$0x3FA6]  }
0x2e: {  	s3 =	simm.s32 @!p0 $0x1082;
	s9 =	sld [smem:$0x3FA7]  }
0x2f: {  	lr =	sadd.s32 s0, s3;
	s0 =	sld [smem:$0x3F9E]  }
0x30: {  	s3 =	sld [smem:$0x3FA1]  }
0x31: {  	[smem:$0x3FAA] =	sst s10  }
0x32: {  	s10 =	sld [smem:$0x3FA8];
	_ =	sdelay $0x3  }
0x33: {  	p0 =	seq.s32 s10, $0x1;
	s10 =	sld [smem:$0x3FAA];
	_ =	sdelay $0x3  }
0x34: {  	[smem:$0x3FAA] =	sst s10  }
0x35: {  	s10 =	sld [smem:$0x3FA9];
	_ =	sdelay $0x3  }
0x36: {  	p1 =	seq.s32 s10, $0x1;
	s10 =	sld [smem:$0x3FAA];
	_ =	sdelay $0x3  }
0x37: {  	[smem:$0x3FAA] =	sst s10  }
0x38: {  	s10 =	sld [smem:$0x3FAB]  }
0x39: {  	_ = 	snop;
	(pc) =	sbr.ind lr, $3  }
0x3a: {  	_ = 	snop  }
0x3b: {  	_ = 	snop  }
0x3c: {  	p2 =	seq.s32 s10, $0x1;
	s10 =	sld [smem:$0x3FAA]  }
0x3d: {  	_ =	shalt  }
0x3e: {  	_ =	shalt  }
0x3f: {  	_ =	shalt  }
0x40: {  	_ =	shalt  }
0x41: {  	_ =	shalt  }
0x42: {  	_ =	shalt  }
0x43: {  	_ =	shalt  }
0x44: {  	_ =	shalt  }
0x45: {  	_ =	shalt  }
0x46: {  	_ =	shalt  }
0x47: {  	_ =	shalt  }
0x48: {  	_ =	shalt  }
0x49: {  	_ =	shalt  }
0x4a: {  	_ =	shalt  }
0x4b: {  	_ =	shalt  }
0x4c: {  	_ =	shalt  }
0x4d: {  	_ =	shalt  }
0x4e: {  	_ =	shalt  }
0x4f: {  	_ =	shalt  }
0x50: {  	_ =	shalt  }
0x51: {  	_ =	shalt  }
0x52: {  	_ =	shalt  }
0x53: {  	_ =	shalt  }
0x54: {  	_ =	shalt  }
0x55: {  	_ =	shalt  }
0x56: {  	_ =	shalt  }
0x57: {  	_ =	shalt  }
0x58: {  	_ =	shalt  }
0x59: {  	_ =	shalt  }
0x5a: {  	_ =	shalt  }
0x5b: {  	_ =	shalt  }
0x5c: {  	_ =	shalt  }
0x5d: {  	_ =	shalt  }
0x5e: {  	_ =	shalt  }
0x5f: {  	_ =	shalt  }
0x60: {  	_ =	shalt  }
0x61: {  	_ =	shalt  }
0x62: {  	_ =	shalt  }
0x63: {  	_ =	shalt  }
0x64: {  	_ =	shalt  }
0x65: {  	_ =	shalt  }
0x66: {  	_ =	shalt  }
0x67: {  	_ =	shalt  }
0x68: {  	_ =	shalt  }
0x69: {  	_ =	shalt  }
0x6a: {  	_ =	shalt  }
0x6b: {  	_ =	shalt  }
0x6c: {  	_ =	shalt  }
0x6d: {  	_ =	shalt  }
0x6e: {  	_ =	shalt  }
0x6f: {  	_ =	shalt  }
0x70: {  	_ =	shalt  }
0x71: {  	_ =	shalt  }
0x72: {  	_ =	shalt  }
0x73: {  	_ =	shalt  }
0x74: {  	_ =	shalt  }
0x75: {  	_ =	shalt  }
0x76: {  	_ =	shalt  }
0x77: {  	_ =	shalt  }
0x78: {  	_ =	shalt  }
0x79: {  	_ =	shalt  }
0x7a: {  	_ =	shalt  }
0x7b: {  	_ =	shalt  }
0x7c: {  	_ =	shalt  }
0x7d: {  	_ =	shalt  }
0x7e: {  	_ =	shalt  }
0x7f: {  	_ =	shalt  }
0x80: {  	_ =	shalt  }
0x81: {  	_ =	shalt  }
0x82: {  	_ =	shalt  }
0x83: {  	_ =	shalt  }
0x84: {  	_ =	shalt  }
0x85: {  	_ =	shalt  }
0x86: {  	_ =	shalt  }
0x87: {  	_ =	shalt  }
.Lfunc_end0:
.L_simem_size_0:
called_computation.3_lowered:
.L_overlay_start_0:
0x88: {  	s2 =	sld [smem:$0x3FD9]  }
0x89: {  	s3 =	sld [smem:$0x3FFE];
	_ =	sdelay $0x1  }
0x8a: {  	s1 =	srdreg.scid  }
0x8b: {  	s0 =	sand.u32 $0x1, s1  }
0x8c: {  	s14 =	sshll.u32 s0, $0xA;
	s2 =	sadd.s32 s3, s2  }
0x8d: {  	s2 =	sadd.s32 s2, s14  }
0x8e: {  	[smem:$0x3FB6] =	sst s2  }
0x8f: {  	_ = 	snop  }
0x90: {  	s2 =	sld [smem:$0x3FD0];
	_ =	sdelay $0x2  }
0x91: {  	s15 =	simm.s32 $0xA;
	s4 =	simm.s32 $0x10  }
0x92: {  	[smem:s4], [sflag:s15] =	dma.local [hbm:s2], $0x1  }
0x93: {  	_ =	swait.eq [sflag:s15], $0x1  }
0x94: {  	[sflag:s15] =	ssyncset.done $0x0  }
0x95: {  	s16 =	sld [smem:$0x11];
	[sflag:s15] =	ssyncadd.s32 $0xFFFFFFFF  }
0x96: {  	s17 =	sld [smem:$0x12];
	(tm) =	ssettm $0x1  }
0x97: {  	s18 =	sld [smem:$0x3FFB];
	_ =	sdelay $0x3  }
0x98: {  	_ =	strace s18  }
0x99: {  	s4 =	sld [smem:$0x3FFC];
	_ =	sdelay $0x3  }
0x9a: {  	_ =	strace s4  }
0x9b: {  	s4 =	sld [smem:$0x3FFD];
	_ =	sdelay $0x3  }
0x9c: {  	_ =	strace s4  }
0x9d: {  	_ =	strace $0x8FFFFFFF  }
0x9e: {  	s19 =	sld [smem:$0x3FDB];
	_ =	sdelay $0x1  }
0x9f: {  	s5 =	simm.s32 $_scs_section_size  }
0xa0: {  	s6 =	simm.s32 $_size__tile_overlayer_lowered;
	s7 =	simm.s32 $_tile_overlayer_lowered  }
0xa1: {  	s22 =	simm.s32 $0x1BFF;
	s21 =	sshll.u32 s7, $0x1;
	s4 =	sadd.s32 s5, s19  }
0xa2: {  	s8 =	simm.s32 $0x0;
	s20 =	sshll.u32 s6, $0x1;
	s6 =	sadd.s32 s21, s4  }
0xa3: {  	[timem:s8], [sflag:s22] =	dma.local [hbm:s6], s20  }
0xa4: {  	_ =	swait.ge [sflag:s22], s20  }
0xa5: {  	s5 =	ssub.s32 $0x0, s20;
	[sflag:s22] =	ssyncset.done $0x0  }
0xa6: {  	[sflag:s22] =	ssyncadd.s32 s5;
	_ =	sdelay $0x1  }
0xa7: {  	s23 =	simm.s32 $0x1B8B  }
0xa8: {  	_ =	swait.ge [sflag:s23], $0x1  }
0xa9: {  	[sflag:s23] =	ssyncset.done $0x0  }
0xaa: {  	s25 =	simm.s32 $0x1B8E;
	s24 =	sld [smem:$0x3FFE];
	[sflag:s23] =	ssyncadd.s32 $0xFFFFFFFF  }
0xab: {  	s26 =	simm.s32 $execute0_lowered;
	[smem:$0x3FD2] =	sst s25  }
0xac: {  	s6 =	sshll.u32 s26, $0x1;
	_ =	strace $0x8000004F;
	[dreg:$0x1] =	wrdreg $0xFFFFFFFF  }
0xad: {  	s28 =	simm.s32 $_size_execute0_lowered;
	s4 =	sadd.s32 s4, s6;
	[dreg:$0x0] =	wrdreg $0x0  }
0xae: {  	s6 =	sshll.u32 s28, $0x1;
	[dreg:$0x2] =	wrdreg s4  }
0xaf: {  	[dreg:$0x3] =	wrdreg s6  }
0xb0: {  	[dreg:$0x4] =	wrdreg $0xC0  }
0xb1: {  	_ =	task [dreg:s8], $0x5FFFF  }
0xb2: {  	[dreg:$0x1] =	wrdreg $0xFFFFFFFF  }
0xb3: {  	[dreg:$0x0] =	wrdreg $0x60  }
0xb4: {  	[dreg:$0x2] =	wrdreg s24  }
0xb5: {  	[dreg:$0x3] =	wrdreg s16  }
0xb6: {  	[dreg:$0x4] =	wrdreg s17  }
0xb7: {  	[dreg:$0x5] =	wrdreg $0x0  }
0xb8: {  	[dreg:$0x6] =	wrdreg $0x9  }
0xb9: {  	_ =	task.clear_ibuf [dreg:s8], $0x7FFFF;
	_ =	strace $0x9000004F  }
0xba: {  	s29 =	simm.s32 $0x9;
	_ =	strace $0x80000051  }
0xbb: {  	_ =	swait.ge [sflag:s29], $0x1  }
0xbc: {  	[sflag:s29] =	ssyncadd.s32 $0xFFFFFFFF  }
0xbd: {  	_ =	strace $0x90000051  }
0xbe: {  	_ =	sfence  }
0xbf: {  	s30 =	sld [smem:$0x0];
	_ =	sdelay $0x2  }
0xc0: {  	s31 =	sshll.u32 s1, $0xD;
	s1 =	sshrl.u32 s1, $0x2  }
0xc1: {  	s3 =	sand.u32 $0x4000, s31;
	s1 =	sadd.s32 s1, s30  }
0xc2: {  	s0 =	sor.u32 s3, s0;
	s1 =	sshll.u32 s1, $0x11  }
0xc3: {  	s0 =	sor.u32 s1, s0  }
0xc4: {  	s0 =	sadd.s32 $0x8F2B, s0  }
0xc5: {  	[sflag:s0] =	ssyncadd.remote.s32 $0x1  }
0xc6: {  	_ =	sfence.sel $0xFFFF  }
0xc7: {  	[dreg:$0x0] =	wrdreg $0xFFFFFFFF;
	(pc) =	sbr.abs _section_cstart, $3  }
0xc8: {  	[dreg:$0x1] =	wrdreg $0xFFFFFFFF  }
0xc9: {  	_ =	task.clear_ibuf [dreg:s8], $0x2FFFF;
	_ =	strace $0x9FFFFFFF  }
0xca: {  	(tm) =	ssettm $0x7FFFFFFF  }
0xcb: {  	_ =	shalt  }
tec
execute0_lowered:
.L_overlay_start_1:
0x0: {  	(tag) =	ssettag $0x1  }
0x1: {  	s5 =	rddreg [dreg:$0x0]  }
0x2: {  	s8 =	rddreg [dreg:$0x1]  }
0x3: {  	s9 =	rddreg [dreg:$0x2]  }
0x4: {  	s2 =	rddreg [dreg:$0x3]  }
0x5: {  	s0 =	rddreg [dreg:$0x4];
	s1 =	stileid.u32  }
0x6: {  	s4 =	srdreg.scid;
	s3 =	simm.s32 $0x0;
	s15 =	simm.s32 $0x18790  }
0x7: {  	s16 =	simm.s32 $0x1;
	s17 =	simm.s32 $0x0;
	s6 =	smul.u32 $0x15F90, s1  }
0x8: {  	s7 =	sand.u32 $0x1, s4;
	[smem:$0x7FF] =	sst s3;
	s4 =	sadd.s32 $0x4800, s5  }
0x9: {  	s12 =	sshll.u32 s1, $0x1;
	s30 =	sshll.u32 s1, $0x6;
	p0 =	seq.s32 s1, $0x0  }
0xa: {  	s10 =	smul.u32 $0x15F900, s7;
	_ =	strace $0x80000050;
	s13 =	ssub.s32 $0x2, s7  }
0xb: {  	s7 =	sor.u32 s7, s12;
	s11 =	sshrl.u32 s6, $0x3;
	s28 =	sshrl.u32 s13, $0x1  }
0xc: {  	s12 =	smul.u32 $0x27, s7;
	s14 =	sadd.s32 s6, s2;
	s29 =	smin.u32 s7, $0x2  }
0xd: {  	s7 =	sor.u32 $0x1C02, s30;
	s11 =	sadd.s32 s11, s5;
	s10 =	sadd.s32 s6, s10  }
0xe: {  	s13 =	ssub.s32 s13, s28;
	s6 =	simm.s32 $0x28;
	s10 =	sshrl.u32 s10, $0x3  }
0xf: {  	s31 =	sadd.s32 s29, s12;
	s6 =	simm.s32 @!p0 $0x27;
	s12 =	sshrl.u32 s14, $0x3  }
0x10: {  	s10 =	sadd.s32 s10, s5;
	s5 =	sadd.s32 $0x30800, s11;
	s11 =	sshll.u32 s31, $0x4  }
0x11: {  	s14 =	simm.s32 $0x80;
	s8 =	sadd.s32 s8, s11;
	s9 =	sadd.s32 s9, s11  }
0x12: {  	s10 =	sadd.s32 $0x5C800, s10;
	s11 =	smax.u32 s13, $0x1;
	s13 =	simm.s32 $0x2  }
.LBB2_1:
0x13: {  	[spmem:s12], [sflag:s7] =	dma.local [hbm:s5], $0x2BF2  }
0x14: {  	_ =	swait.ge [sflag:s13], $0x2BF2  }
0x15: {  	[sflag:s13] =	ssyncset.done $0x0  }
0x16: {  	[sflag:s13] =	ssyncadd.s32 $0xFFFFD40E  }
0x17: {  	s18 =	simm.s32 $0x15F90;
	[bflag:$0x0] =	sbarrier.arrive $0xFFFF  }
0x18: {  	[tilespmem:s18], [sflag:$0x2] =	stream.linear.gather [hbm4b:s8+s3], $0x1400, $0x38;
	[tilespmem:$0x1CF90] =	vst v63  }
0x19: {  	_ =	swait.ge [sflag:s13], $0x1400  }
0x1a: {  	[sflag:s13] =	ssyncset.done $0x0  }
0x1b: {  	s19 =	simm.s32 $0x17390;
	[sflag:s13] =	ssyncadd.s32 $0xFFFFEC00  }
0x1c: {  	[tilespmem:s19], [sflag:$0x2] =	stream.linear.gather [hbm4b:s9+s3], $0x1400, $0x38;
	[tilespmem:$0x1CF90] =	vst v63  }
0x1d: {  	_ =	swait.ge [sflag:s13], $0x1400  }
0x1e: {  	[sflag:s13] =	ssyncset.done $0x0  }
0x1f: {  	[sflag:s13] =	ssyncadd.s32 $0xFFFFEC00  }
0x20: {  	[tilespmem:s15], [sflag:$0x1] =	stream.indirect.gather [hbm4b:s4+s14], $0x90, s18, s14, $0xb8;
	[tilespmem:$0x1CF90] =	vst v63  }
0x21: {  	p0 =	sne.s32 s6, $0x1;
	_ =	swait.ge [sflag:s16], $0x4800  }
.Ltmp0:
0x22: {  	[sflag:s16] =	ssyncset.done $0x0;
	(pc) =	sbr.rel @!p0 .LBB2_3-.Ltmp0, $4  }
0x23: {  	[sflag:s16] =	ssyncadd.s32 $0xFFFFB800  }
0x24: {  	[spmem:s2] =	stream.indirect.scatter.add.f32 [tilespmem:s15], [sflag:$0x2], $0x90, s19, s14, $0xb8;
	[tilespmem:$0x1CF90] =	vst v63  }
0x25: {  	_ =	swait.ge [sflag:s13], $0x4800  }
0x26: {  	s20 =	sadd.s32 $0xFFFFFFFF, s6;
	[sflag:s13] =	ssyncset.done $0x0  }
.LBB2_2:
0x27: {  	[sflag:s13] =	ssyncadd.s32 $0xFFFFB800;
	s18 =	sadd.s32 $0x80, s18;
	s19 =	sadd.s32 $0x80, s19  }
0x28: {  	[tilespmem:s15], [sflag:$0x1] =	stream.indirect.gather [hbm4b:s4+s14], $0x90, s18, s14, $0xb8;
	[tilespmem:$0x1CF90] =	vst v63  }
0x29: {  	p0 =	sne.s32 s20, $0x1;
	s20 =	sadd.s32 $0xFFFFFFFF, s20;
	_ =	swait.ge [sflag:s16], $0x4800  }
.Ltmp1:
0x2a: {  	[sflag:s16] =	ssyncset.done $0x0;
	(pc) =	sbr.rel @p0 .LBB2_2-.Ltmp1, $4  }
0x2b: {  	[sflag:s16] =	ssyncadd.s32 $0xFFFFB800  }
0x2c: {  	[spmem:s2] =	stream.indirect.scatter.add.f32 [tilespmem:s15], [sflag:$0x2], $0x90, s19, s14, $0xb8;
	[tilespmem:$0x1CF90] =	vst v63  }
0x2d: {  	_ =	swait.ge [sflag:s13], $0x4800  }
0x2e: {  	[sflag:s13] =	ssyncset.done $0x0  }
.LBB2_3:
0x2f: {  	s17 =	sadd.s32 $0x1, s17  }
0x30: {  	[sflag:s13] =	ssyncadd.s32 $0xFFFFB800;
	p0 =	sne.s32 s17, s11  }
.Ltmp2:
0x31: {  	[bflag:$0x0] =	sbarrier.arrive $0xFFFF;
	(pc) =	sbr.rel @p0 .LBB2_1-.Ltmp2, $4  }
0x32: {  	[hbm:s10], [sflag:s7] =	dma.local [spmem:s12], $0x2BF2  }
0x33: {  	_ =	swait.ge [sflag:s13], $0x2BF2  }
0x34: {  	[sflag:s13] =	ssyncset.done $0x0  }
0x35: {  	[sflag:s13] =	ssyncadd.s32 $0xFFFFD40E  }
0x36: {  	_ =	sfence.sel $0x180000  }
0x37: {  	[bflag:$0x0] =	sbarrier.arrive $0xFFFF  }
0x38: {  	p0 =	sne.s32 s1, $0x0;
	_ =	strace $0x90000050  }
0x39: {  	s0 =	sadd.s32 @!p0 $0x100000, s0;
	[bflag:$0x2] =	sbarrier.arrive $0xFFFF  }
0x3a: {  	[sflag:s0] =	ssyncadd.tile.s32 @!p0 $0x1;
	_ =	shalt  }
.Lfunc_end2:
_tile_overlayer_lowered:
.L_overlay_start_2:
0x3b: {  	(tag) =	ssettag $0x2  }
0x3c: {  	s0 =	rddreg [dreg:$0x0];
	s2 =	stileid.u32  }
0x3d: {  	s1 =	rddreg [dreg:$0x1];
	p0 =	sne.s32 s2, $0x0  }
0x3e: {  	s3 =	rddreg [dreg:$0x2];
	[bflag:$0x3] =	sbarrier.arrive $0xFFFF;
	s2 =	simm.s32 @!p0 $0x1C02  }
0x3f: {  	[timem:s3], [sflag:s2] =	dma.local @!p0 [hbm:s0], s1  }
0x40: {  	s0 =	simm.s32 @!p0 $0x2  }
0x41: {  	_ =	swait.ge @!p0 [sflag:s0], s1  }
0x42: {  	s1 =	ssub.s32 @!p0 $0x0, s1;
	[sflag:s0] =	ssyncset.done @!p0 $0x0  }
0x43: {  	[sflag:s0] =	ssyncadd.s32 @!p0 s1  }
0x44: {  	[bflag:$0x3] =	sbarrier.arrive $0xFFFF  }
0x45: {  	_ =	shalt  }

</sc_bundles>
